<compile_context>
chip_gen: v7x
topology: tpu7x:2x2x1
jax: 0.10.2.dev20260603
libtpu: 0.0.44.dev20260713+nightly
codegen_flags: <defaults>
</compile_context>

<pallas_src>
import functools

import jax
import jax.numpy as jnp
from jax import lax
from jax.experimental import pallas as pl
from jax.experimental.pallas import tpu as pltpu
from jax.experimental.pallas import tpu_sc as plsc

_LOG2 = 0.6931471805599453

_NC = 2
_NS = 16
_NW = _NC * _NS
_C = 128


def _ssp(x):
    return jnp.maximum(x, 0.0) + jnp.log1p(jnp.exp(-jnp.abs(x))) - _LOG2


def _filter_body(ea_ref, w1_ref, b1_ref, w2_ref, b2_ref, out_ref):
    a = lax.dot_general(ea_ref[...], w1_ref[...], (((1,), (1,)), ((), ())),
                        preferred_element_type=jnp.float32)
    a = _ssp(a + b1_ref[...])
    b = lax.dot_general(a, w2_ref[...], (((1,), (1,)), ((), ())),
                        preferred_element_type=jnp.float32)
    out_ref[...] = _ssp(b + b2_ref[...])


def _filter_mlp(edge_attr, w1, b1, w2, b2, block_e):
    E, D = edge_attr.shape
    F = w1.shape[0]
    nb = E // block_e
    return pl.pallas_call(
        _filter_body,
        grid=(nb,),
        in_specs=[
            pl.BlockSpec((block_e, D), lambda i: (i, 0)),
            pl.BlockSpec((F, D), lambda i: (0, 0)),
            pl.BlockSpec((1, F), lambda i: (0, 0)),
            pl.BlockSpec((F, F), lambda i: (0, 0)),
            pl.BlockSpec((1, F), lambda i: (0, 0)),
        ],
        out_specs=pl.BlockSpec((block_e, F), lambda i: (i, 0)),
        out_shape=jax.ShapeDtypeStruct((E, F), jnp.float32),
    )(edge_attr, w1, b1, w2, b2)


def _hw_body(h_ref, fw_ref, out_ref):
    out_ref[...] = lax.dot_general(h_ref[...], fw_ref[...],
                                   (((1,), (1,)), ((), ())),
                                   preferred_element_type=jnp.float32)


def _node_transform(h, fc1_w, block_n):
    N, D = h.shape
    F = fc1_w.shape[0]
    nb = N // block_n
    return pl.pallas_call(
        _hw_body,
        grid=(nb,),
        in_specs=[
            pl.BlockSpec((block_n, D), lambda i: (i, 0)),
            pl.BlockSpec((F, D), lambda i: (0, 0)),
        ],
        out_specs=pl.BlockSpec((block_n, F), lambda i: (i, 0)),
        out_shape=jax.ShapeDtypeStruct((N, F), jnp.float32),
    )(h, fc1_w)


def _sc_message_scatter(hw, W, src, dst):
    N, D = hw.shape
    E = W.shape[0]
    n_chunks = E // _C
    chunks_per_tile = -(-n_chunks // _NW)
    _RPT = -(-(N // _NS) // _C) * _C
    rows_last = N - _RPT * (_NS - 1)
    assert 0 < rows_last <= _RPT and rows_last % 8 == 0

    def _pieces(total):
        out, off = [], 0
        while off < total:
            n = min(_C, total - off)
            out.append((off, n))
            off += n
        return out

    mesh = plsc.VectorSubcoreMesh(core_axis_name="c", subcore_axis_name="s",
                                  num_cores=_NC, num_subcores=_NS)

    @functools.partial(
        pl.kernel,
        out_type=jax.ShapeDtypeStruct((_NC * N, D), jnp.float32),
        mesh=mesh,
        scratch_types=[
            pltpu.VMEM((_C,), jnp.int32),
            pltpu.VMEM((_C,), jnp.int32),
            pltpu.VMEM((_C, D), jnp.float32),
            pltpu.VMEM((_C, D), jnp.float32),
            pltpu.VMEM_SHARED((N, D), jnp.float32),
            pltpu.SemaphoreType.DMA,
        ],
    )
    def sc_kernel(hw_hbm, w_hbm, src_hbm, dst_hbm, out_hbm,
                  src_v, dst_v, rows_v, w_v, acc, sem):
        c = lax.axis_index("c")
        s = lax.axis_index("s")
        wid = s * _NC + c

        def zrow(r, _):
            for cc in range(D // 16):
                w_v[r, pl.ds(cc * 16, 16)] = jnp.zeros((16,), jnp.float32)
            return 0
        lax.fori_loop(0, _C, zrow, 0)
        r0 = s * _RPT

        @pl.when(s < _NS - 1)
        def _():
            for off, n in _pieces(_RPT):
                pltpu.sync_copy(w_v.at[pl.ds(0, n)],
                                acc.at[pl.ds(r0 + off, n)])

        @pl.when(s == _NS - 1)
        def _():
            for off, n in _pieces(rows_last):
                pltpu.sync_copy(w_v.at[pl.ds(0, n)],
                                acc.at[pl.ds(r0 + off, n)])

        plsc.subcore_barrier()

        def chunk_body(j, _):
            chunk = j * _NW + wid

            @pl.when(chunk < n_chunks)
            def _():
                e0 = chunk * _C
                pltpu.sync_copy(src_hbm.at[pl.ds(e0, _C)], src_v)
                pltpu.sync_copy(dst_hbm.at[pl.ds(e0, _C)], dst_v)
                pltpu.sync_copy(w_hbm.at[pl.ds(e0, _C)], w_v)
                pltpu.async_copy(hw_hbm.at[src_v], rows_v, sem).wait()

                def mrow(r, _):
                    for cc in range(D // 16):
                        sl = pl.ds(cc * 16, 16)
                        rows_v[r, sl] = rows_v[r, sl] * w_v[r, sl]
                    return 0
                lax.fori_loop(0, _C, mrow, 0)

                pltpu.sync_copy(rows_v, acc.at[dst_v], add=True)
            return 0
        lax.fori_loop(0, chunks_per_tile, chunk_body, 0)
        plsc.subcore_barrier()

        @pl.when(s < _NS - 1)
        def _():
            pltpu.sync_copy(acc.at[pl.ds(r0, _RPT)],
                            out_hbm.at[pl.ds(c * N + r0, _RPT)])

        @pl.when(s == _NS - 1)
        def _():
            pltpu.sync_copy(acc.at[pl.ds(r0, rows_last)],
                            out_hbm.at[pl.ds(c * N + r0, rows_last)])

    return sc_kernel(hw, W, src, dst)


def _add_body(a_ref, b_ref, out_ref):
    out_ref[...] = a_ref[...] + b_ref[...]


def _add_partials(parts, N, D, block_n):
    nb = N // block_n
    off = N // block_n
    return pl.pallas_call(
        _add_body,
        grid=(nb,),
        in_specs=[
            pl.BlockSpec((block_n, D), lambda i: (i, 0)),
            pl.BlockSpec((block_n, D), lambda i: (i + off, 0)),
        ],
        out_specs=pl.BlockSpec((block_n, D), lambda i: (i, 0)),
        out_shape=jax.ShapeDtypeStruct((N, D), jnp.float32),
    )(parts, parts)


def kernel(h, edge_index, edge_attr, fc1_w, mlp_w1, mlp_b1, mlp_w2, mlp_b2):
    N, D = h.shape
    E = edge_attr.shape[0]
    ei = edge_index.astype(jnp.int32)
    src = ei[0]
    dst = ei[1]
    b1 = mlp_b1.reshape(1, -1)
    b2 = mlp_b2.reshape(1, -1)

    W = _filter_mlp(edge_attr, mlp_w1, b1, mlp_w2, b2, block_e=2000)
    hw = _node_transform(h, fc1_w, block_n=1000)
    parts = _sc_message_scatter(hw, W, src, dst)
    return _add_partials(parts, N, D, block_n=1000)

# --- scband reference (transcript-rebuilt; emitter-appended) ---
"""Pipeline reference for scband-message-function-30107720745104 (READ-ONLY COPY).

The authoritative reference and input builder live on the scoring server;
editing this copy changes nothing except your own understanding.
"""

import jax, jax.numpy as jnp
import numpy as np

N = 10000
E = 320000
D = 128
F_ = 128

def setup_inputs(seed: int = 0) -> dict:
    key = jax.random.key(seed)
    ks = jax.random.split(key, 8)
    h = jax.random.normal(ks[0], (N, D), dtype=jnp.float32)
    edge_index = jax.random.randint(ks[1], (2, E), 0, N, dtype=jnp.int64)
    edge_attr = jax.random.normal(ks[2], (E, D), dtype=jnp.float32)
    # xavier-uniform-style parameter init
    def xavier(k, fan_out, fan_in):
        a = jnp.sqrt(6.0 / (fan_in + fan_out))
        return jax.random.uniform(k, (fan_out, fan_in), minval=-a, maxval=a, dtype=jnp.float32)
    fc1_w = xavier(ks[3], F_, D)
    mlp_w1 = xavier(ks[4], F_, D)
    mlp_b1 = jnp.zeros((F_,), dtype=jnp.float32)
    mlp_w2 = xavier(ks[5], F_, F_)
    mlp_b2 = jnp.zeros((F_,), dtype=jnp.float32)
    return {"h": h, "edge_index": edge_index, "edge_attr": edge_attr,
            "fc1_w": fc1_w, "mlp_w1": mlp_w1, "mlp_b1": mlp_b1,
            "mlp_w2": mlp_w2, "mlp_b2": mlp_b2}

def _ssp(x):
    return jax.nn.softplus(x) - jnp.log(2.0)

def reference(h, edge_index, edge_attr, fc1_w, mlp_w1, mlp_b1, mlp_w2, mlp_b2):
    # filter network W = filter_mlp(edge_attr)
    W = _ssp(edge_attr @ mlp_w1.T + mlp_b1)
    W = _ssp(W @ mlp_w2.T + mlp_b2)
    # message passing (PyG source_to_target: x_j = x[edge_index[0]], aggregate at edge_index[1])
    src = edge_index[0]
    dst = edge_index[1]
    x_j = jnp.take(h, src, axis=0)
    msg = (x_j @ fc1_w.T) * W
    out = jax.ops.segment_sum(msg, dst, num_segments=h.shape[0])
    return out

if __name__ == "__main__":
    import jax
    _d = setup_inputs()
    print(jax.jit(kernel)(*tuple(_d.values())))

</pallas_src>

<mosaic_0001>
#map = affine_map<(d0, d1) -> (0, 0)>
#map1 = affine_map<(d0, d1) -> (0)>
module attributes {stable_mosaic.version = 14 : i64} {
  func.func @sc_kernel(%arg0: i32, %arg1: i32, %arg2: memref<10000x128xf32, #tpu.memory_space<hbm>>, %arg3: memref<320000x128xf32, #tpu.memory_space<hbm>>, %arg4: memref<320000xi32, #tpu.memory_space<hbm>>, %arg5: memref<320000xi32, #tpu.memory_space<hbm>>, %arg6: memref<20000x128xf32, #tpu.memory_space<hbm>>, %arg7: memref<128xi32, #tpu.memory_space<vmem>>, %arg8: memref<128xi32, #tpu.memory_space<vmem>>, %arg9: memref<128x128xf32, #tpu.memory_space<vmem>>, %arg10: memref<128x128xf32, #tpu.memory_space<vmem>>, %arg11: memref<10000x128xf32, #tpu.memory_space<vmem_shared>>, %arg12: memref<!tpu.dma_semaphore, #tpu.memory_space<semaphore_mem>>) attributes {dimension_semantics = [#tpu.dimension_semantics<core_parallel>, #tpu.dimension_semantics<subcore_parallel>], iteration_bounds = array<i64: 2, 16>, scalar_prefetch = 0 : i64, scratch_operands = 6 : i64, tpu.core_type = #tpu.core_type<sc_vector_subcore>, window_params = [{transform_indices = #map}, {transform_indices = #map}, {transform_indices = #map1}, {transform_indices = #map1}, {transform_indices = #map}]} {
    %mul3A = arith.constant 2 : i32
    %mul3A_0 = arith.muli %arg1, %mul3A : i32
    %add3A = arith.addi %mul3A_0, %arg0 : i32
    %scan3A = arith.constant 0 : i32
    %scan3A_1 = arith.constant 0 : i32
    %scan3A_2 = arith.constant 128 : i32
    %scan3A_3 = arith.addi %scan3A_1, %scan3A_2 : i32
    %scan3A_4 = arith.constant 1 : i32
    %scan3A_5 = scf.for %scan3A_33 = %scan3A_1 to %scan3A_3 step %scan3A_4 iter_args(%scan3A_34 = %scan3A) -> (i32)  : i32 {
      %broadcast_in_dim3A = arith.constant 0.000000e+00 : f32
      %broadcast_in_dim3A_35 = vector.broadcast %broadcast_in_dim3A : f32 to vector<16xf32>
      %swap3A = arith.index_cast %scan3A_33 : i32 to index
      %swap3A_36 = arith.constant 0 : index
      %swap3A_37 = tpu.vector_load %arg10[%swap3A, %swap3A_36] {strides = array<i32>} : memref<128x128xf32, #tpu.memory_space<vmem>>, vector<1x16xf32>,
      %swap3A_38 = vector.shape_cast %swap3A_37 : vector<1x16xf32> to vector<16xf32>
      %swap3A_39 = vector.shape_cast %broadcast_in_dim3A_35 : vector<16xf32> to vector<1x16xf32>
      tpu.vector_store %arg10[%swap3A, %swap3A_36], %swap3A_39 {strides = array<i32>} : memref<128x128xf32, #tpu.memory_space<vmem>>, vector<1x16xf32>,
      %broadcast_in_dim3A_40 = arith.constant 0.000000e+00 : f32
      %broadcast_in_dim3A_41 = vector.broadcast %broadcast_in_dim3A_40 : f32 to vector<16xf32>
      %swap3A_42 = arith.index_cast %scan3A_33 : i32 to index
      %swap3A_43 = arith.constant 16 : index
      %swap3A_44 = tpu.vector_load %arg10[%swap3A_42, %swap3A_43] {strides = array<i32>} : memref<128x128xf32, #tpu.memory_space<vmem>>, vector<1x16xf32>,
      %swap3A_45 = vector.shape_cast %swap3A_44 : vector<1x16xf32> to vector<16xf32>
      %swap3A_46 = vector.shape_cast %broadcast_in_dim3A_41 : vector<16xf32> to vector<1x16xf32>
      tpu.vector_store %arg10[%swap3A_42, %swap3A_43], %swap3A_46 {strides = array<i32>} : memref<128x128xf32, #tpu.memory_space<vmem>>, vector<1x16xf32>,
      %broadcast_in_dim3A_47 = arith.constant 0.000000e+00 : f32
      %broadcast_in_dim3A_48 = vector.broadcast %broadcast_in_dim3A_47 : f32 to vector<16xf32>
      %swap3A_49 = arith.index_cast %scan3A_33 : i32 to index
      %swap3A_50 = arith.constant 32 : index
      %swap3A_51 = tpu.vector_load %arg10[%swap3A_49, %swap3A_50] {strides = array<i32>} : memref<128x128xf32, #tpu.memory_space<vmem>>, vector<1x16xf32>,
      %swap3A_52 = vector.shape_cast %swap3A_51 : vector<1x16xf32> to vector<16xf32>
      %swap3A_53 = vector.shape_cast %broadcast_in_dim3A_48 : vector<16xf32> to vector<1x16xf32>
      tpu.vector_store %arg10[%swap3A_49, %swap3A_50], %swap3A_53 {strides = array<i32>} : memref<128x128xf32, #tpu.memory_space<vmem>>, vector<1x16xf32>,
      %broadcast_in_dim3A_54 = arith.constant 0.000000e+00 : f32
      %broadcast_in_dim3A_55 = vector.broadcast %broadcast_in_dim3A_54 : f32 to vector<16xf32>
      %swap3A_56 = arith.index_cast %scan3A_33 : i32 to index
      %swap3A_57 = arith.constant 48 : index
      %swap3A_58 = tpu.vector_load %arg10[%swap3A_56, %swap3A_57] {strides = array<i32>} : memref<128x128xf32, #tpu.memory_space<vmem>>, vector<1x16xf32>,
      %swap3A_59 = vector.shape_cast %swap3A_58 : vector<1x16xf32> to vector<16xf32>
      %swap3A_60 = vector.shape_cast %broadcast_in_dim3A_55 : vector<16xf32> to vector<1x16xf32>
      tpu.vector_store %arg10[%swap3A_56, %swap3A_57], %swap3A_60 {strides = array<i32>} : memref<128x128xf32, #tpu.memory_space<vmem>>, vector<1x16xf32>,
      %broadcast_in_dim3A_61 = arith.constant 0.000000e+00 : f32
      %broadcast_in_dim3A_62 = vector.broadcast %broadcast_in_dim3A_61 : f32 to vector<16xf32>
      %swap3A_63 = arith.index_cast %scan3A_33 : i32 to index
      %swap3A_64 = arith.constant 64 : index
      %swap3A_65 = tpu.vector_load %arg10[%swap3A_63, %swap3A_64] {strides = array<i32>} : memref<128x128xf32, #tpu.memory_space<vmem>>, vector<1x16xf32>,
      %swap3A_66 = vector.shape_cast %swap3A_65 : vector<1x16xf32> to vector<16xf32>
      %swap3A_67 = vector.shape_cast %broadcast_in_dim3A_62 : vector<16xf32> to vector<1x16xf32>
      tpu.vector_store %arg10[%swap3A_63, %swap3A_64], %swap3A_67 {strides = array<i32>} : memref<128x128xf32, #tpu.memory_space<vmem>>, vector<1x16xf32>,
      %broadcast_in_dim3A_68 = arith.constant 0.000000e+00 : f32
      %broadcast_in_dim3A_69 = vector.broadcast %broadcast_in_dim3A_68 : f32 to vector<16xf32>
      %swap3A_70 = arith.index_cast %scan3A_33 : i32 to index
      %swap3A_71 = arith.constant 80 : index
      %swap3A_72 = tpu.vector_load %arg10[%swap3A_70, %swap3A_71] {strides = array<i32>} : memref<128x128xf32, #tpu.memory_space<vmem>>, vector<1x16xf32>,
      %swap3A_73 = vector.shape_cast %swap3A_72 : vector<1x16xf32> to vector<16xf32>
      %swap3A_74 = vector.shape_cast %broadcast_in_dim3A_69 : vector<16xf32> to vector<1x16xf32>
      tpu.vector_store %arg10[%swap3A_70, %swap3A_71], %swap3A_74 {strides = array<i32>} : memref<128x128xf32, #tpu.memory_space<vmem>>, vector<1x16xf32>,
      %broadcast_in_dim3A_75 = arith.constant 0.000000e+00 : f32
      %broadcast_in_dim3A_76 = vector.broadcast %broadcast_in_dim3A_75 : f32 to vector<16xf32>
      %swap3A_77 = arith.index_cast %scan3A_33 : i32 to index
      %swap3A_78 = arith.constant 96 : index
      %swap3A_79 = tpu.vector_load %arg10[%swap3A_77, %swap3A_78] {strides = array<i32>} : memref<128x128xf32, #tpu.memory_space<vmem>>, vector<1x16xf32>,
      %swap3A_80 = vector.shape_cast %swap3A_79 : vector<1x16xf32> to vector<16xf32>
      %swap3A_81 = vector.shape_cast %broadcast_in_dim3A_76 : vector<16xf32> to vector<1x16xf32>
      tpu.vector_store %arg10[%swap3A_77, %swap3A_78], %swap3A_81 {strides = array<i32>} : memref<128x128xf32, #tpu.memory_space<vmem>>, vector<1x16xf32>,
      %broadcast_in_dim3A_82 = arith.constant 0.000000e+00 : f32
      %broadcast_in_dim3A_83 = vector.broadcast %broadcast_in_dim3A_82 : f32 to vector<16xf32>
      %swap3A_84 = arith.index_cast %scan3A_33 : i32 to index
      %swap3A_85 = arith.constant 112 : index
      %swap3A_86 = tpu.vector_load %arg10[%swap3A_84, %swap3A_85] {strides = array<i32>} : memref<128x128xf32, #tpu.memory_space<vmem>>, vector<1x16xf32>,
      %swap3A_87 = vector.shape_cast %swap3A_86 : vector<1x16xf32> to vector<16xf32>
      %swap3A_88 = vector.shape_cast %broadcast_in_dim3A_83 : vector<16xf32> to vector<1x16xf32>
      tpu.vector_store %arg10[%swap3A_84, %swap3A_85], %swap3A_88 {strides = array<i32>} : memref<128x128xf32, #tpu.memory_space<vmem>>, vector<1x16xf32>,
      %scan3A_89 = arith.constant 0 : i32
      scf.yield %scan3A_89 : i32
    }
    %scan3A_6 = arith.constant 128 : i32
    %mul3A_7 = arith.constant 640 : i32
    %mul3A_8 = arith.muli %arg1, %mul3A_7 : i32
    %lt3A = arith.constant 15 : i32
    %lt3A_9 = arith.cmpi slt, %arg1, %lt3A : i32
    %convert_element_type3A = arith.extui %lt3A_9 : i1 to i32
    %cond3A = arith.constant 0 : i32
    %cond3A_10 = arith.cmpi ne, %convert_element_type3A, %cond3A : i32
    scf.if %cond3A_10 {
      %add3A_33 = arith.constant 0 : i32
      %add3A_34 = arith.addi %mul3A_8, %add3A_33 : i32
      "tpu.region"() ({
        %run_scoped3A = tpu.sem_alloc : memref<!tpu.dma_semaphore, #tpu.memory_space<semaphore_mem>>
        %dma_start3A = arith.constant 0 : i32
        %dma_start3A_43 = arith.constant 0 : i32
        %dma_start3A_44 = tpu.memref_slice %arg10[%dma_start3A, %dma_start3A_43] : memref<128x128xf32, #tpu.memory_space<vmem>> -> memref<128x128xf32, #tpu.memory_space<vmem>>
        %dma_start3A_45 = arith.constant 0 : i32
        %dma_start3A_46 = tpu.memref_slice %arg11[%add3A_34, %dma_start3A_45] : memref<10000x128xf32, #tpu.memory_space<vmem_shared>> -> memref<128x128xf32, #tpu.memory_space<vmem_shared>>
        %dma_start3A_47 = arith.constant 0 : i32
        %dma_start3A_48 = tpu.memref_slice %arg11[%add3A_34, %dma_start3A_47] : memref<10000x128xf32, #tpu.memory_space<vmem_shared>> -> memref<128x128xf32, #tpu.memory_space<vmem_shared>>
        %dma_start3A_49 = arith.constant 0 : i32
        %dma_start3A_50 = arith.constant 0 : i32
        %dma_start3A_51 = tpu.memref_slice %arg10[%dma_start3A_49, %dma_start3A_50] : memref<128x128xf32, #tpu.memory_space<vmem>> -> memref<128x128xf32, #tpu.memory_space<vmem>>
        tpu.enqueue_dma source(%dma_start3A_51 : memref<128x128xf32, #tpu.memory_space<vmem>>) target(%dma_start3A_48 : memref<128x128xf32, #tpu.memory_space<vmem_shared>>) target_semaphore(%run_scoped3A : memref<!tpu.dma_semaphore, #tpu.memory_space<semaphore_mem>>)
        %dma_wait3A = arith.constant 0 : i32
        %dma_wait3A_52 = arith.constant 0 : i32
        %dma_wait3A_53 = tpu.memref_slice %arg10[%dma_wait3A, %dma_wait3A_52] : memref<128x128xf32, #tpu.memory_space<vmem>> -> memref<128x128xf32, #tpu.memory_space<vmem>>
        %dma_wait3A_54 = arith.constant 0 : i32
        %dma_wait3A_55 = tpu.memref_slice %arg11[%add3A_34, %dma_wait3A_54] : memref<10000x128xf32, #tpu.memory_space<vmem_shared>> -> memref<128x128xf32, #tpu.memory_space<vmem_shared>>
        %dma_wait3A_56 = arith.constant 0 : i32
        %dma_wait3A_57 = tpu.memref_slice %arg11[%add3A_34, %dma_wait3A_56] : memref<10000x128xf32, #tpu.memory_space<vmem_shared>> -> memref<128x128xf32, #tpu.memory_space<vmem_shared>>
        %dma_wait3A_58 = arith.constant 0 : i32
        %dma_wait3A_59 = arith.constant 0 : i32
        %dma_wait3A_60 = tpu.memref_slice %arg10[%dma_wait3A_58, %dma_wait3A_59] : memref<128x128xf32, #tpu.memory_space<vmem>> -> memref<128x128xf32, #tpu.memory_space<vmem>>
        tpu.wait_dma2 semaphore(%run_scoped3A : memref<!tpu.dma_semaphore, #tpu.memory_space<semaphore_mem>>) src(%dma_wait3A_60 : memref<128x128xf32, #tpu.memory_space<vmem>>) dst(%dma_wait3A_57 : memref<128x128xf32, #tpu.memory_space<vmem_shared>>)
        tpu.yield
      }) : () -> ()
      %add3A_35 = arith.constant 128 : i32
      %add3A_36 = arith.addi %mul3A_8, %add3A_35 : i32
      "tpu.region"() ({
        %run_scoped3A = tpu.sem_alloc : memref<!tpu.dma_semaphore, #tpu.memory_space<semaphore_mem>>
        %dma_start3A = arith.constant 0 : i32
        %dma_start3A_43 = arith.constant 0 : i32
        %dma_start3A_44 = tpu.memref_slice %arg10[%dma_start3A, %dma_start3A_43] : memref<128x128xf32, #tpu.memory_space<vmem>> -> memref<128x128xf32, #tpu.memory_space<vmem>>
        %dma_start3A_45 = arith.constant 0 : i32
        %dma_start3A_46 = tpu.memref_slice %arg11[%add3A_36, %dma_start3A_45] : memref<10000x128xf32, #tpu.memory_space<vmem_shared>> -> memref<128x128xf32, #tpu.memory_space<vmem_shared>>
        %dma_start3A_47 = arith.constant 0 : i32
        %dma_start3A_48 = tpu.memref_slice %arg11[%add3A_36, %dma_start3A_47] : memref<10000x128xf32, #tpu.memory_space<vmem_shared>> -> memref<128x128xf32, #tpu.memory_space<vmem_shared>>
        %dma_start3A_49 = arith.constant 0 : i32
        %dma_start3A_50 = arith.constant 0 : i32
        %dma_start3A_51 = tpu.memref_slice %arg10[%dma_start3A_49, %dma_start3A_50] : memref<128x128xf32, #tpu.memory_space<vmem>> -> memref<128x128xf32, #tpu.memory_space<vmem>>
        tpu.enqueue_dma source(%dma_start3A_51 : memref<128x128xf32, #tpu.memory_space<vmem>>) target(%dma_start3A_48 : memref<128x128xf32, #tpu.memory_space<vmem_shared>>) target_semaphore(%run_scoped3A : memref<!tpu.dma_semaphore, #tpu.memory_space<semaphore_mem>>)
        %dma_wait3A = arith.constant 0 : i32
        %dma_wait3A_52 = arith.constant 0 : i32
        %dma_wait3A_53 = tpu.memref_slice %arg10[%dma_wait3A, %dma_wait3A_52] : memref<128x128xf32, #tpu.memory_space<vmem>> -> memref<128x128xf32, #tpu.memory_space<vmem>>
        %dma_wait3A_54 = arith.constant 0 : i32
        %dma_wait3A_55 = tpu.memref_slice %arg11[%add3A_36, %dma_wait3A_54] : memref<10000x128xf32, #tpu.memory_space<vmem_shared>> -> memref<128x128xf32, #tpu.memory_space<vmem_shared>>
        %dma_wait3A_56 = arith.constant 0 : i32
        %dma_wait3A_57 = tpu.memref_slice %arg11[%add3A_36, %dma_wait3A_56] : memref<10000x128xf32, #tpu.memory_space<vmem_shared>> -> memref<128x128xf32, #tpu.memory_space<vmem_shared>>
        %dma_wait3A_58 = arith.constant 0 : i32
        %dma_wait3A_59 = arith.constant 0 : i32
        %dma_wait3A_60 = tpu.memref_slice %arg10[%dma_wait3A_58, %dma_wait3A_59] : memref<128x128xf32, #tpu.memory_space<vmem>> -> memref<128x128xf32, #tpu.memory_space<vmem>>
        tpu.wait_dma2 semaphore(%run_scoped3A : memref<!tpu.dma_semaphore, #tpu.memory_space<semaphore_mem>>) src(%dma_wait3A_60 : memref<128x128xf32, #tpu.memory_space<vmem>>) dst(%dma_wait3A_57 : memref<128x128xf32, #tpu.memory_space<vmem_shared>>)
        tpu.yield
      }) : () -> ()
      %add3A_37 = arith.constant 256 : i32
      %add3A_38 = arith.addi %mul3A_8, %add3A_37 : i32
      "tpu.region"() ({
        %run_scoped3A = tpu.sem_alloc : memref<!tpu.dma_semaphore, #tpu.memory_space<semaphore_mem>>
        %dma_start3A = arith.constant 0 : i32
        %dma_start3A_43 = arith.constant 0 : i32
        %dma_start3A_44 = tpu.memref_slice %arg10[%dma_start3A, %dma_start3A_43] : memref<128x128xf32, #tpu.memory_space<vmem>> -> memref<128x128xf32, #tpu.memory_space<vmem>>
        %dma_start3A_45 = arith.constant 0 : i32
        %dma_start3A_46 = tpu.memref_slice %arg11[%add3A_38, %dma_start3A_45] : memref<10000x128xf32, #tpu.memory_space<vmem_shared>> -> memref<128x128xf32, #tpu.memory_space<vmem_shared>>
        %dma_start3A_47 = arith.constant 0 : i32
        %dma_start3A_48 = tpu.memref_slice %arg11[%add3A_38, %dma_start3A_47] : memref<10000x128xf32, #tpu.memory_space<vmem_shared>> -> memref<128x128xf32, #tpu.memory_space<vmem_shared>>
        %dma_start3A_49 = arith.constant 0 : i32
        %dma_start3A_50 = arith.constant 0 : i32
        %dma_start3A_51 = tpu.memref_slice %arg10[%dma_start3A_49, %dma_start3A_50] : memref<128x128xf32, #tpu.memory_space<vmem>> -> memref<128x128xf32, #tpu.memory_space<vmem>>
        tpu.enqueue_dma source(%dma_start3A_51 : memref<128x128xf32, #tpu.memory_space<vmem>>) target(%dma_start3A_48 : memref<128x128xf32, #tpu.memory_space<vmem_shared>>) target_semaphore(%run_scoped3A : memref<!tpu.dma_semaphore, #tpu.memory_space<semaphore_mem>>)
        %dma_wait3A = arith.constant 0 : i32
        %dma_wait3A_52 = arith.constant 0 : i32
        %dma_wait3A_53 = tpu.memref_slice %arg10[%dma_wait3A, %dma_wait3A_52] : memref<128x128xf32, #tpu.memory_space<vmem>> -> memref<128x128xf32, #tpu.memory_space<vmem>>
        %dma_wait3A_54 = arith.constant 0 : i32
        %dma_wait3A_55 = tpu.memref_slice %arg11[%add3A_38, %dma_wait3A_54] : memref<10000x128xf32, #tpu.memory_space<vmem_shared>> -> memref<128x128xf32, #tpu.memory_space<vmem_shared>>
        %dma_wait3A_56 = arith.constant 0 : i32
        %dma_wait3A_57 = tpu.memref_slice %arg11[%add3A_38, %dma_wait3A_56] : memref<10000x128xf32, #tpu.memory_space<vmem_shared>> -> memref<128x128xf32, #tpu.memory_space<vmem_shared>>
        %dma_wait3A_58 = arith.constant 0 : i32
        %dma_wait3A_59 = arith.constant 0 : i32
        %dma_wait3A_60 = tpu.memref_slice %arg10[%dma_wait3A_58, %dma_wait3A_59] : memref<128x128xf32, #tpu.memory_space<vmem>> -> memref<128x128xf32, #tpu.memory_space<vmem>>
        tpu.wait_dma2 semaphore(%run_scoped3A : memref<!tpu.dma_semaphore, #tpu.memory_space<semaphore_mem>>) src(%dma_wait3A_60 : memref<128x128xf32, #tpu.memory_space<vmem>>) dst(%dma_wait3A_57 : memref<128x128xf32, #tpu.memory_space<vmem_shared>>)
        tpu.yield
      }) : () -> ()
      %add3A_39 = arith.constant 384 : i32
      %add3A_40 = arith.addi %mul3A_8, %add3A_39 : i32
      "tpu.region"() ({
        %run_scoped3A = tpu.sem_alloc : memref<!tpu.dma_semaphore, #tpu.memory_space<semaphore_mem>>
        %dma_start3A = arith.constant 0 : i32
        %dma_start3A_43 = arith.constant 0 : i32
        %dma_start3A_44 = tpu.memref_slice %arg10[%dma_start3A, %dma_start3A_43] : memref<128x128xf32, #tpu.memory_space<vmem>> -> memref<128x128xf32, #tpu.memory_space<vmem>>
        %dma_start3A_45 = arith.constant 0 : i32
        %dma_start3A_46 = tpu.memref_slice %arg11[%add3A_40, %dma_start3A_45] : memref<10000x128xf32, #tpu.memory_space<vmem_shared>> -> memref<128x128xf32, #tpu.memory_space<vmem_shared>>
        %dma_start3A_47 = arith.constant 0 : i32
        %dma_start3A_48 = tpu.memref_slice %arg11[%add3A_40, %dma_start3A_47] : memref<10000x128xf32, #tpu.memory_space<vmem_shared>> -> memref<128x128xf32, #tpu.memory_space<vmem_shared>>
        %dma_start3A_49 = arith.constant 0 : i32
        %dma_start3A_50 = arith.constant 0 : i32
        %dma_start3A_51 = tpu.memref_slice %arg10[%dma_start3A_49, %dma_start3A_50] : memref<128x128xf32, #tpu.memory_space<vmem>> -> memref<128x128xf32, #tpu.memory_space<vmem>>
        tpu.enqueue_dma source(%dma_start3A_51 : memref<128x128xf32, #tpu.memory_space<vmem>>) target(%dma_start3A_48 : memref<128x128xf32, #tpu.memory_space<vmem_shared>>) target_semaphore(%run_scoped3A : memref<!tpu.dma_semaphore, #tpu.memory_space<semaphore_mem>>)
        %dma_wait3A = arith.constant 0 : i32
        %dma_wait3A_52 = arith.constant 0 : i32
        %dma_wait3A_53 = tpu.memref_slice %arg10[%dma_wait3A, %dma_wait3A_52] : memref<128x128xf32, #tpu.memory_space<vmem>> -> memref<128x128xf32, #tpu.memory_space<vmem>>
        %dma_wait3A_54 = arith.constant 0 : i32
        %dma_wait3A_55 = tpu.memref_slice %arg11[%add3A_40, %dma_wait3A_54] : memref<10000x128xf32, #tpu.memory_space<vmem_shared>> -> memref<128x128xf32, #tpu.memory_space<vmem_shared>>
        %dma_wait3A_56 = arith.constant 0 : i32
        %dma_wait3A_57 = tpu.memref_slice %arg11[%add3A_40, %dma_wait3A_56] : memref<10000x128xf32, #tpu.memory_space<vmem_shared>> -> memref<128x128xf32, #tpu.memory_space<vmem_shared>>
        %dma_wait3A_58 = arith.constant 0 : i32
        %dma_wait3A_59 = arith.constant 0 : i32
        %dma_wait3A_60 = tpu.memref_slice %arg10[%dma_wait3A_58, %dma_wait3A_59] : memref<128x128xf32, #tpu.memory_space<vmem>> -> memref<128x128xf32, #tpu.memory_space<vmem>>
        tpu.wait_dma2 semaphore(%run_scoped3A : memref<!tpu.dma_semaphore, #tpu.memory_space<semaphore_mem>>) src(%dma_wait3A_60 : memref<128x128xf32, #tpu.memory_space<vmem>>) dst(%dma_wait3A_57 : memref<128x128xf32, #tpu.memory_space<vmem_shared>>)
        tpu.yield
      }) : () -> ()
      %add3A_41 = arith.constant 512 : i32
      %add3A_42 = arith.addi %mul3A_8, %add3A_41 : i32
      "tpu.region"() ({
        %run_scoped3A = tpu.sem_alloc : memref<!tpu.dma_semaphore, #tpu.memory_space<semaphore_mem>>
        %dma_start3A = arith.constant 0 : i32
        %dma_start3A_43 = arith.constant 0 : i32
        %dma_start3A_44 = tpu.memref_slice %arg10[%dma_start3A, %dma_start3A_43] : memref<128x128xf32, #tpu.memory_space<vmem>> -> memref<128x128xf32, #tpu.memory_space<vmem>>
        %dma_start3A_45 = arith.constant 0 : i32
        %dma_start3A_46 = tpu.memref_slice %arg11[%add3A_42, %dma_start3A_45] : memref<10000x128xf32, #tpu.memory_space<vmem_shared>> -> memref<128x128xf32, #tpu.memory_space<vmem_shared>>
        %dma_start3A_47 = arith.constant 0 : i32
        %dma_start3A_48 = tpu.memref_slice %arg11[%add3A_42, %dma_start3A_47] : memref<10000x128xf32, #tpu.memory_space<vmem_shared>> -> memref<128x128xf32, #tpu.memory_space<vmem_shared>>
        %dma_start3A_49 = arith.constant 0 : i32
        %dma_start3A_50 = arith.constant 0 : i32
        %dma_start3A_51 = tpu.memref_slice %arg10[%dma_start3A_49, %dma_start3A_50] : memref<128x128xf32, #tpu.memory_space<vmem>> -> memref<128x128xf32, #tpu.memory_space<vmem>>
        tpu.enqueue_dma source(%dma_start3A_51 : memref<128x128xf32, #tpu.memory_space<vmem>>) target(%dma_start3A_48 : memref<128x128xf32, #tpu.memory_space<vmem_shared>>) target_semaphore(%run_scoped3A : memref<!tpu.dma_semaphore, #tpu.memory_space<semaphore_mem>>)
        %dma_wait3A = arith.constant 0 : i32
        %dma_wait3A_52 = arith.constant 0 : i32
        %dma_wait3A_53 = tpu.memref_slice %arg10[%dma_wait3A, %dma_wait3A_52] : memref<128x128xf32, #tpu.memory_space<vmem>> -> memref<128x128xf32, #tpu.memory_space<vmem>>
        %dma_wait3A_54 = arith.constant 0 : i32
        %dma_wait3A_55 = tpu.memref_slice %arg11[%add3A_42, %dma_wait3A_54] : memref<10000x128xf32, #tpu.memory_space<vmem_shared>> -> memref<128x128xf32, #tpu.memory_space<vmem_shared>>
        %dma_wait3A_56 = arith.constant 0 : i32
        %dma_wait3A_57 = tpu.memref_slice %arg11[%add3A_42, %dma_wait3A_56] : memref<10000x128xf32, #tpu.memory_space<vmem_shared>> -> memref<128x128xf32, #tpu.memory_space<vmem_shared>>
        %dma_wait3A_58 = arith.constant 0 : i32
        %dma_wait3A_59 = arith.constant 0 : i32
        %dma_wait3A_60 = tpu.memref_slice %arg10[%dma_wait3A_58, %dma_wait3A_59] : memref<128x128xf32, #tpu.memory_space<vmem>> -> memref<128x128xf32, #tpu.memory_space<vmem>>
        tpu.wait_dma2 semaphore(%run_scoped3A : memref<!tpu.dma_semaphore, #tpu.memory_space<semaphore_mem>>) src(%dma_wait3A_60 : memref<128x128xf32, #tpu.memory_space<vmem>>) dst(%dma_wait3A_57 : memref<128x128xf32, #tpu.memory_space<vmem_shared>>)
        tpu.yield
      }) : () -> ()
    } else {
    }
    %eq3A = arith.constant 15 : i32
    %eq3A_11 = arith.cmpi eq, %arg1, %eq3A : i32
    %convert_element_type3A_12 = arith.extui %eq3A_11 : i1 to i32
    %cond3A_13 = arith.constant 0 : i32
    %cond3A_14 = arith.cmpi ne, %convert_element_type3A_12, %cond3A_13 : i32
    scf.if %cond3A_14 {
      %add3A_33 = arith.constant 0 : i32
      %add3A_34 = arith.addi %mul3A_8, %add3A_33 : i32
      "tpu.region"() ({
        %run_scoped3A = tpu.sem_alloc : memref<!tpu.dma_semaphore, #tpu.memory_space<semaphore_mem>>
        %dma_start3A = arith.constant 0 : i32
        %dma_start3A_41 = arith.constant 0 : i32
        %dma_start3A_42 = tpu.memref_slice %arg10[%dma_start3A, %dma_start3A_41] : memref<128x128xf32, #tpu.memory_space<vmem>> -> memref<128x128xf32, #tpu.memory_space<vmem>>
        %dma_start3A_43 = arith.constant 0 : i32
        %dma_start3A_44 = tpu.memref_slice %arg11[%add3A_34, %dma_start3A_43] : memref<10000x128xf32, #tpu.memory_space<vmem_shared>> -> memref<128x128xf32, #tpu.memory_space<vmem_shared>>
        %dma_start3A_45 = arith.constant 0 : i32
        %dma_start3A_46 = tpu.memref_slice %arg11[%add3A_34, %dma_start3A_45] : memref<10000x128xf32, #tpu.memory_space<vmem_shared>> -> memref<128x128xf32, #tpu.memory_space<vmem_shared>>
        %dma_start3A_47 = arith.constant 0 : i32
        %dma_start3A_48 = arith.constant 0 : i32
        %dma_start3A_49 = tpu.memref_slice %arg10[%dma_start3A_47, %dma_start3A_48] : memref<128x128xf32, #tpu.memory_space<vmem>> -> memref<128x128xf32, #tpu.memory_space<vmem>>
        tpu.enqueue_dma source(%dma_start3A_49 : memref<128x128xf32, #tpu.memory_space<vmem>>) target(%dma_start3A_46 : memref<128x128xf32, #tpu.memory_space<vmem_shared>>) target_semaphore(%run_scoped3A : memref<!tpu.dma_semaphore, #tpu.memory_space<semaphore_mem>>)
        %dma_wait3A = arith.constant 0 : i32
        %dma_wait3A_50 = arith.constant 0 : i32
        %dma_wait3A_51 = tpu.memref_slice %arg10[%dma_wait3A, %dma_wait3A_50] : memref<128x128xf32, #tpu.memory_space<vmem>> -> memref<128x128xf32, #tpu.memory_space<vmem>>
        %dma_wait3A_52 = arith.constant 0 : i32
        %dma_wait3A_53 = tpu.memref_slice %arg11[%add3A_34, %dma_wait3A_52] : memref<10000x128xf32, #tpu.memory_space<vmem_shared>> -> memref<128x128xf32, #tpu.memory_space<vmem_shared>>
        %dma_wait3A_54 = arith.constant 0 : i32
        %dma_wait3A_55 = tpu.memref_slice %arg11[%add3A_34, %dma_wait3A_54] : memref<10000x128xf32, #tpu.memory_space<vmem_shared>> -> memref<128x128xf32, #tpu.memory_space<vmem_shared>>
        %dma_wait3A_56 = arith.constant 0 : i32
        %dma_wait3A_57 = arith.constant 0 : i32
        %dma_wait3A_58 = tpu.memref_slice %arg10[%dma_wait3A_56, %dma_wait3A_57] : memref<128x128xf32, #tpu.memory_space<vmem>> -> memref<128x128xf32, #tpu.memory_space<vmem>>
        tpu.wait_dma2 semaphore(%run_scoped3A : memref<!tpu.dma_semaphore, #tpu.memory_space<semaphore_mem>>) src(%dma_wait3A_58 : memref<128x128xf32, #tpu.memory_space<vmem>>) dst(%dma_wait3A_55 : memref<128x128xf32, #tpu.memory_space<vmem_shared>>)
        tpu.yield
      }) : () -> ()
      %add3A_35 = arith.constant 128 : i32
      %add3A_36 = arith.addi %mul3A_8, %add3A_35 : i32
      "tpu.region"() ({
        %run_scoped3A = tpu.sem_alloc : memref<!tpu.dma_semaphore, #tpu.memory_space<semaphore_mem>>
        %dma_start3A = arith.constant 0 : i32
        %dma_start3A_41 = arith.constant 0 : i32
        %dma_start3A_42 = tpu.memref_slice %arg10[%dma_start3A, %dma_start3A_41] : memref<128x128xf32, #tpu.memory_space<vmem>> -> memref<128x128xf32, #tpu.memory_space<vmem>>
        %dma_start3A_43 = arith.constant 0 : i32
        %dma_start3A_44 = tpu.memref_slice %arg11[%add3A_36, %dma_start3A_43] : memref<10000x128xf32, #tpu.memory_space<vmem_shared>> -> memref<128x128xf32, #tpu.memory_space<vmem_shared>>
        %dma_start3A_45 = arith.constant 0 : i32
        %dma_start3A_46 = tpu.memref_slice %arg11[%add3A_36, %dma_start3A_45] : memref<10000x128xf32, #tpu.memory_space<vmem_shared>> -> memref<128x128xf32, #tpu.memory_space<vmem_shared>>
        %dma_start3A_47 = arith.constant 0 : i32
        %dma_start3A_48 = arith.constant 0 : i32
        %dma_start3A_49 = tpu.memref_slice %arg10[%dma_start3A_47, %dma_start3A_48] : memref<128x128xf32, #tpu.memory_space<vmem>> -> memref<128x128xf32, #tpu.memory_space<vmem>>
        tpu.enqueue_dma source(%dma_start3A_49 : memref<128x128xf32, #tpu.memory_space<vmem>>) target(%dma_start3A_46 : memref<128x128xf32, #tpu.memory_space<vmem_shared>>) target_semaphore(%run_scoped3A : memref<!tpu.dma_semaphore, #tpu.memory_space<semaphore_mem>>)
        %dma_wait3A = arith.constant 0 : i32
        %dma_wait3A_50 = arith.constant 0 : i32
        %dma_wait3A_51 = tpu.memref_slice %arg10[%dma_wait3A, %dma_wait3A_50] : memref<128x128xf32, #tpu.memory_space<vmem>> -> memref<128x128xf32, #tpu.memory_space<vmem>>
        %dma_wait3A_52 = arith.constant 0 : i32
        %dma_wait3A_53 = tpu.memref_slice %arg11[%add3A_36, %dma_wait3A_52] : memref<10000x128xf32, #tpu.memory_space<vmem_shared>> -> memref<128x128xf32, #tpu.memory_space<vmem_shared>>
        %dma_wait3A_54 = arith.constant 0 : i32
        %dma_wait3A_55 = tpu.memref_slice %arg11[%add3A_36, %dma_wait3A_54] : memref<10000x128xf32, #tpu.memory_space<vmem_shared>> -> memref<128x128xf32, #tpu.memory_space<vmem_shared>>
        %dma_wait3A_56 = arith.constant 0 : i32
        %dma_wait3A_57 = arith.constant 0 : i32
        %dma_wait3A_58 = tpu.memref_slice %arg10[%dma_wait3A_56, %dma_wait3A_57] : memref<128x128xf32, #tpu.memory_space<vmem>> -> memref<128x128xf32, #tpu.memory_space<vmem>>
        tpu.wait_dma2 semaphore(%run_scoped3A : memref<!tpu.dma_semaphore, #tpu.memory_space<semaphore_mem>>) src(%dma_wait3A_58 : memref<128x128xf32, #tpu.memory_space<vmem>>) dst(%dma_wait3A_55 : memref<128x128xf32, #tpu.memory_space<vmem_shared>>)
        tpu.yield
      }) : () -> ()
      %add3A_37 = arith.constant 256 : i32
      %add3A_38 = arith.addi %mul3A_8, %add3A_37 : i32
      "tpu.region"() ({
        %run_scoped3A = tpu.sem_alloc : memref<!tpu.dma_semaphore, #tpu.memory_space<semaphore_mem>>
        %dma_start3A = arith.constant 0 : i32
        %dma_start3A_41 = arith.constant 0 : i32
        %dma_start3A_42 = tpu.memref_slice %arg10[%dma_start3A, %dma_start3A_41] : memref<128x128xf32, #tpu.memory_space<vmem>> -> memref<128x128xf32, #tpu.memory_space<vmem>>
        %dma_start3A_43 = arith.constant 0 : i32
        %dma_start3A_44 = tpu.memref_slice %arg11[%add3A_38, %dma_start3A_43] : memref<10000x128xf32, #tpu.memory_space<vmem_shared>> -> memref<128x128xf32, #tpu.memory_space<vmem_shared>>
        %dma_start3A_45 = arith.constant 0 : i32
        %dma_start3A_46 = tpu.memref_slice %arg11[%add3A_38, %dma_start3A_45] : memref<10000x128xf32, #tpu.memory_space<vmem_shared>> -> memref<128x128xf32, #tpu.memory_space<vmem_shared>>
        %dma_start3A_47 = arith.constant 0 : i32
        %dma_start3A_48 = arith.constant 0 : i32
        %dma_start3A_49 = tpu.memref_slice %arg10[%dma_start3A_47, %dma_start3A_48] : memref<128x128xf32, #tpu.memory_space<vmem>> -> memref<128x128xf32, #tpu.memory_space<vmem>>
        tpu.enqueue_dma source(%dma_start3A_49 : memref<128x128xf32, #tpu.memory_space<vmem>>) target(%dma_start3A_46 : memref<128x128xf32, #tpu.memory_space<vmem_shared>>) target_semaphore(%run_scoped3A : memref<!tpu.dma_semaphore, #tpu.memory_space<semaphore_mem>>)
        %dma_wait3A = arith.constant 0 : i32
        %dma_wait3A_50 = arith.constant 0 : i32
        %dma_wait3A_51 = tpu.memref_slice %arg10[%dma_wait3A, %dma_wait3A_50] : memref<128x128xf32, #tpu.memory_space<vmem>> -> memref<128x128xf32, #tpu.memory_space<vmem>>
        %dma_wait3A_52 = arith.constant 0 : i32
        %dma_wait3A_53 = tpu.memref_slice %arg11[%add3A_38, %dma_wait3A_52] : memref<10000x128xf32, #tpu.memory_space<vmem_shared>> -> memref<128x128xf32, #tpu.memory_space<vmem_shared>>
        %dma_wait3A_54 = arith.constant 0 : i32
        %dma_wait3A_55 = tpu.memref_slice %arg11[%add3A_38, %dma_wait3A_54] : memref<10000x128xf32, #tpu.memory_space<vmem_shared>> -> memref<128x128xf32, #tpu.memory_space<vmem_shared>>
        %dma_wait3A_56 = arith.constant 0 : i32
        %dma_wait3A_57 = arith.constant 0 : i32
        %dma_wait3A_58 = tpu.memref_slice %arg10[%dma_wait3A_56, %dma_wait3A_57] : memref<128x128xf32, #tpu.memory_space<vmem>> -> memref<128x128xf32, #tpu.memory_space<vmem>>
        tpu.wait_dma2 semaphore(%run_scoped3A : memref<!tpu.dma_semaphore, #tpu.memory_space<semaphore_mem>>) src(%dma_wait3A_58 : memref<128x128xf32, #tpu.memory_space<vmem>>) dst(%dma_wait3A_55 : memref<128x128xf32, #tpu.memory_space<vmem_shared>>)
        tpu.yield
      }) : () -> ()
      %add3A_39 = arith.constant 384 : i32
      %add3A_40 = arith.addi %mul3A_8, %add3A_39 : i32
      "tpu.region"() ({
        %run_scoped3A = tpu.sem_alloc : memref<!tpu.dma_semaphore, #tpu.memory_space<semaphore_mem>>
        %dma_start3A = arith.constant 0 : i32
        %dma_start3A_41 = arith.constant 0 : i32
        %dma_start3A_42 = tpu.memref_slice %arg10[%dma_start3A, %dma_start3A_41] : memref<128x128xf32, #tpu.memory_space<vmem>> -> memref<16x128xf32, #tpu.memory_space<vmem>>
        %dma_start3A_43 = arith.constant 0 : i32
        %dma_start3A_44 = tpu.memref_slice %arg11[%add3A_40, %dma_start3A_43] : memref<10000x128xf32, #tpu.memory_space<vmem_shared>> -> memref<16x128xf32, #tpu.memory_space<vmem_shared>>
        %dma_start3A_45 = arith.constant 0 : i32
        %dma_start3A_46 = tpu.memref_slice %arg11[%add3A_40, %dma_start3A_45] : memref<10000x128xf32, #tpu.memory_space<vmem_shared>> -> memref<16x128xf32, #tpu.memory_space<vmem_shared>>
        %dma_start3A_47 = arith.constant 0 : i32
        %dma_start3A_48 = arith.constant 0 : i32
        %dma_start3A_49 = tpu.memref_slice %arg10[%dma_start3A_47, %dma_start3A_48] : memref<128x128xf32, #tpu.memory_space<vmem>> -> memref<16x128xf32, #tpu.memory_space<vmem>>
        tpu.enqueue_dma source(%dma_start3A_49 : memref<16x128xf32, #tpu.memory_space<vmem>>) target(%dma_start3A_46 : memref<16x128xf32, #tpu.memory_space<vmem_shared>>) target_semaphore(%run_scoped3A : memref<!tpu.dma_semaphore, #tpu.memory_space<semaphore_mem>>)
        %dma_wait3A = arith.constant 0 : i32
        %dma_wait3A_50 = arith.constant 0 : i32
        %dma_wait3A_51 = tpu.memref_slice %arg10[%dma_wait3A, %dma_wait3A_50] : memref<128x128xf32, #tpu.memory_space<vmem>> -> memref<16x128xf32, #tpu.memory_space<vmem>>
        %dma_wait3A_52 = arith.constant 0 : i32
        %dma_wait3A_53 = tpu.memref_slice %arg11[%add3A_40, %dma_wait3A_52] : memref<10000x128xf32, #tpu.memory_space<vmem_shared>> -> memref<16x128xf32, #tpu.memory_space<vmem_shared>>
        %dma_wait3A_54 = arith.constant 0 : i32
        %dma_wait3A_55 = tpu.memref_slice %arg11[%add3A_40, %dma_wait3A_54] : memref<10000x128xf32, #tpu.memory_space<vmem_shared>> -> memref<16x128xf32, #tpu.memory_space<vmem_shared>>
        %dma_wait3A_56 = arith.constant 0 : i32
        %dma_wait3A_57 = arith.constant 0 : i32
        %dma_wait3A_58 = tpu.memref_slice %arg10[%dma_wait3A_56, %dma_wait3A_57] : memref<128x128xf32, #tpu.memory_space<vmem>> -> memref<16x128xf32, #tpu.memory_space<vmem>>
        tpu.wait_dma2 semaphore(%run_scoped3A : memref<!tpu.dma_semaphore, #tpu.memory_space<semaphore_mem>>) src(%dma_wait3A_58 : memref<16x128xf32, #tpu.memory_space<vmem>>) dst(%dma_wait3A_55 : memref<16x128xf32, #tpu.memory_space<vmem_shared>>)
        tpu.yield
      }) : () -> ()
    } else {
    }
    %barrier3A = arith.constant 0 : index
    tpu.barrier barrier_id(%barrier3A)
    %scan3A_15 = arith.constant 0 : i32
    %scan3A_16 = arith.constant 0 : i32
    %scan3A_17 = arith.constant 79 : i32
    %scan3A_18 = arith.addi %scan3A_16, %scan3A_17 : i32
    %scan3A_19 = arith.constant 1 : i32
    %scan3A_20 = scf.for %scan3A_33 = %scan3A_16 to %scan3A_18 step %scan3A_19 iter_args(%scan3A_34 = %scan3A_15) -> (i32)  : i32 {
      %mul3A_35 = arith.constant 32 : i32
      %mul3A_36 = arith.muli %scan3A_33, %mul3A_35 : i32
      %add3A_37 = arith.addi %mul3A_36, %add3A : i32
      %lt3A_38 = arith.constant 2500 : i32
      %lt3A_39 = arith.cmpi slt, %add3A_37, %lt3A_38 : i32
      %convert_element_type3A_40 = arith.extui %lt3A_39 : i1 to i32
      %cond3A_41 = arith.constant 0 : i32
      %cond3A_42 = arith.cmpi ne, %convert_element_type3A_40, %cond3A_41 : i32
      scf.if %cond3A_42 {
        %mul3A_44 = arith.constant 128 : i32
        %mul3A_45 = arith.muli %add3A_37, %mul3A_44 : i32
        "tpu.region"() ({
          %run_scoped3A = tpu.sem_alloc : memref<!tpu.dma_semaphore, #tpu.memory_space<semaphore_mem>>
          %dma_start3A_57 = tpu.memref_slice %arg4[%mul3A_45] : memref<320000xi32, #tpu.memory_space<hbm>> -> memref<128xi32, #tpu.memory_space<hbm>>
          %dma_start3A_58 = tpu.memref_slice %arg4[%mul3A_45] : memref<320000xi32, #tpu.memory_space<hbm>> -> memref<128xi32, #tpu.memory_space<hbm>>
          tpu.enqueue_dma source(%dma_start3A_58 : memref<128xi32, #tpu.memory_space<hbm>>) target(%arg7 : memref<128xi32, #tpu.memory_space<vmem>>) target_semaphore(%run_scoped3A : memref<!tpu.dma_semaphore, #tpu.memory_space<semaphore_mem>>)
          %dma_wait3A_59 = tpu.memref_slice %arg4[%mul3A_45] : memref<320000xi32, #tpu.memory_space<hbm>> -> memref<128xi32, #tpu.memory_space<hbm>>
          %dma_wait3A_60 = tpu.memref_slice %arg4[%mul3A_45] : memref<320000xi32, #tpu.memory_space<hbm>> -> memref<128xi32, #tpu.memory_space<hbm>>
          tpu.wait_dma2 semaphore(%run_scoped3A : memref<!tpu.dma_semaphore, #tpu.memory_space<semaphore_mem>>) src(%dma_wait3A_60 : memref<128xi32, #tpu.memory_space<hbm>>) dst(%arg7 : memref<128xi32, #tpu.memory_space<vmem>>)
          tpu.yield
        }) : () -> ()
        "tpu.region"() ({
          %run_scoped3A = tpu.sem_alloc : memref<!tpu.dma_semaphore, #tpu.memory_space<semaphore_mem>>
          %dma_start3A_57 = tpu.memref_slice %arg5[%mul3A_45] : memref<320000xi32, #tpu.memory_space<hbm>> -> memref<128xi32, #tpu.memory_space<hbm>>
          %dma_start3A_58 = tpu.memref_slice %arg5[%mul3A_45] : memref<320000xi32, #tpu.memory_space<hbm>> -> memref<128xi32, #tpu.memory_space<hbm>>
          tpu.enqueue_dma source(%dma_start3A_58 : memref<128xi32, #tpu.memory_space<hbm>>) target(%arg8 : memref<128xi32, #tpu.memory_space<vmem>>) target_semaphore(%run_scoped3A : memref<!tpu.dma_semaphore, #tpu.memory_space<semaphore_mem>>)
          %dma_wait3A_59 = tpu.memref_slice %arg5[%mul3A_45] : memref<320000xi32, #tpu.memory_space<hbm>> -> memref<128xi32, #tpu.memory_space<hbm>>
          %dma_wait3A_60 = tpu.memref_slice %arg5[%mul3A_45] : memref<320000xi32, #tpu.memory_space<hbm>> -> memref<128xi32, #tpu.memory_space<hbm>>
          tpu.wait_dma2 semaphore(%run_scoped3A : memref<!tpu.dma_semaphore, #tpu.memory_space<semaphore_mem>>) src(%dma_wait3A_60 : memref<128xi32, #tpu.memory_space<hbm>>) dst(%arg8 : memref<128xi32, #tpu.memory_space<vmem>>)
          tpu.yield
        }) : () -> ()
        "tpu.region"() ({
          %run_scoped3A = tpu.sem_alloc : memref<!tpu.dma_semaphore, #tpu.memory_space<semaphore_mem>>
          %dma_start3A_57 = arith.constant 0 : i32
          %dma_start3A_58 = tpu.memref_slice %arg3[%mul3A_45, %dma_start3A_57] : memref<320000x128xf32, #tpu.memory_space<hbm>> -> memref<128x128xf32, #tpu.memory_space<hbm>>
          %dma_start3A_59 = arith.constant 0 : i32
          %dma_start3A_60 = tpu.memref_slice %arg3[%mul3A_45, %dma_start3A_59] : memref<320000x128xf32, #tpu.memory_space<hbm>> -> memref<128x128xf32, #tpu.memory_space<hbm>>
          tpu.enqueue_dma source(%dma_start3A_60 : memref<128x128xf32, #tpu.memory_space<hbm>>) target(%arg10 : memref<128x128xf32, #tpu.memory_space<vmem>>) target_semaphore(%run_scoped3A : memref<!tpu.dma_semaphore, #tpu.memory_space<semaphore_mem>>)
          %dma_wait3A_61 = arith.constant 0 : i32
          %dma_wait3A_62 = tpu.memref_slice %arg3[%mul3A_45, %dma_wait3A_61] : memref<320000x128xf32, #tpu.memory_space<hbm>> -> memref<128x128xf32, #tpu.memory_space<hbm>>
          %dma_wait3A_63 = arith.constant 0 : i32
          %dma_wait3A_64 = tpu.memref_slice %arg3[%mul3A_45, %dma_wait3A_63] : memref<320000x128xf32, #tpu.memory_space<hbm>> -> memref<128x128xf32, #tpu.memory_space<hbm>>
          tpu.wait_dma2 semaphore(%run_scoped3A : memref<!tpu.dma_semaphore, #tpu.memory_space<semaphore_mem>>) src(%dma_wait3A_64 : memref<128x128xf32, #tpu.memory_space<hbm>>) dst(%arg10 : memref<128x128xf32, #tpu.memory_space<vmem>>)
          tpu.yield
        }) : () -> ()
        %dma_start3A = arith.constant 0 : i32
        %dma_start3A_46 = arith.constant 0 : i32
        %dma_start3A_47 = tpu.memref_slice %arg2[%dma_start3A, %dma_start3A_46] : memref<10000x128xf32, #tpu.memory_space<hbm>> -> memref<10000x128xf32, #tpu.memory_space<hbm>>
        tpu.enqueue_indirect_dma source(%dma_start3A_47 : memref<10000x128xf32, #tpu.memory_space<hbm>>) target(%arg9 : memref<128x128xf32, #tpu.memory_space<vmem>>) offsets(%arg7 : memref<128xi32, #tpu.memory_space<vmem>>) semaphore(%arg12 : memref<!tpu.dma_semaphore, #tpu.memory_space<semaphore_mem>>)
        %dma_wait3A = arith.constant 0 : i32
        %dma_wait3A_48 = arith.constant 0 : i32
        %dma_wait3A_49 = tpu.memref_slice %arg2[%dma_wait3A, %dma_wait3A_48] : memref<10000x128xf32, #tpu.memory_space<hbm>> -> memref<10000x128xf32, #tpu.memory_space<hbm>>
        tpu.wait_indirect_dma semaphore(%arg12 : memref<!tpu.dma_semaphore, #tpu.memory_space<semaphore_mem>>) src(%dma_wait3A_49 : memref<10000x128xf32, #tpu.memory_space<hbm>>) dst(%arg9 : memref<128x128xf32, #tpu.memory_space<vmem>>)
        %scan3A_50 = arith.constant 0 : i32
        %scan3A_51 = arith.constant 0 : i32
        %scan3A_52 = arith.constant 128 : i32
        %scan3A_53 = arith.addi %scan3A_51, %scan3A_52 : i32
        %scan3A_54 = arith.constant 1 : i32
        %scan3A_55 = scf.for %scan3A_57 = %scan3A_51 to %scan3A_53 step %scan3A_54 iter_args(%scan3A_58 = %scan3A_50) -> (i32)  : i32 {
          %get3A = arith.index_cast %scan3A_57 : i32 to index
          %get3A_59 = arith.constant 0 : index
          %get3A_60 = tpu.vector_load %arg9[%get3A, %get3A_59] {strides = array<i32>} : memref<128x128xf32, #tpu.memory_space<vmem>>, vector<1x16xf32>,
          %get3A_61 = vector.shape_cast %get3A_60 : vector<1x16xf32> to vector<16xf32>
          %get3A_62 = arith.index_cast %scan3A_57 : i32 to index
          %get3A_63 = arith.constant 0 : index
          %get3A_64 = tpu.vector_load %arg10[%get3A_62, %get3A_63] {strides = array<i32>} : memref<128x128xf32, #tpu.memory_space<vmem>>, vector<1x16xf32>,
          %get3A_65 = vector.shape_cast %get3A_64 : vector<1x16xf32> to vector<16xf32>
          %mul3A_66 = arith.mulf %get3A_61, %get3A_65 : vector<16xf32>
          %swap3A = arith.index_cast %scan3A_57 : i32 to index
          %swap3A_67 = arith.constant 0 : index
          %swap3A_68 = tpu.vector_load %arg9[%swap3A, %swap3A_67] {strides = array<i32>} : memref<128x128xf32, #tpu.memory_space<vmem>>, vector<1x16xf32>,
          %swap3A_69 = vector.shape_cast %swap3A_68 : vector<1x16xf32> to vector<16xf32>
          %swap3A_70 = vector.shape_cast %mul3A_66 : vector<16xf32> to vector<1x16xf32>
          tpu.vector_store %arg9[%swap3A, %swap3A_67], %swap3A_70 {strides = array<i32>} : memref<128x128xf32, #tpu.memory_space<vmem>>, vector<1x16xf32>,
          %get3A_71 = arith.index_cast %scan3A_57 : i32 to index
          %get3A_72 = arith.constant 16 : index
          %get3A_73 = tpu.vector_load %arg9[%get3A_71, %get3A_72] {strides = array<i32>} : memref<128x128xf32, #tpu.memory_space<vmem>>, vector<1x16xf32>,
          %get3A_74 = vector.shape_cast %get3A_73 : vector<1x16xf32> to vector<16xf32>
          %get3A_75 = arith.index_cast %scan3A_57 : i32 to index
          %get3A_76 = arith.constant 16 : index
          %get3A_77 = tpu.vector_load %arg10[%get3A_75, %get3A_76] {strides = array<i32>} : memref<128x128xf32, #tpu.memory_space<vmem>>, vector<1x16xf32>,
          %get3A_78 = vector.shape_cast %get3A_77 : vector<1x16xf32> to vector<16xf32>
          %mul3A_79 = arith.mulf %get3A_74, %get3A_78 : vector<16xf32>
          %swap3A_80 = arith.index_cast %scan3A_57 : i32 to index
          %swap3A_81 = arith.constant 16 : index
          %swap3A_82 = tpu.vector_load %arg9[%swap3A_80, %swap3A_81] {strides = array<i32>} : memref<128x128xf32, #tpu.memory_space<vmem>>, vector<1x16xf32>,
          %swap3A_83 = vector.shape_cast %swap3A_82 : vector<1x16xf32> to vector<16xf32>
          %swap3A_84 = vector.shape_cast %mul3A_79 : vector<16xf32> to vector<1x16xf32>
          tpu.vector_store %arg9[%swap3A_80, %swap3A_81], %swap3A_84 {strides = array<i32>} : memref<128x128xf32, #tpu.memory_space<vmem>>, vector<1x16xf32>,
          %get3A_85 = arith.index_cast %scan3A_57 : i32 to index
          %get3A_86 = arith.constant 32 : index
          %get3A_87 = tpu.vector_load %arg9[%get3A_85, %get3A_86] {strides = array<i32>} : memref<128x128xf32, #tpu.memory_space<vmem>>, vector<1x16xf32>,
          %get3A_88 = vector.shape_cast %get3A_87 : vector<1x16xf32> to vector<16xf32>
          %get3A_89 = arith.index_cast %scan3A_57 : i32 to index
          %get3A_90 = arith.constant 32 : index
          %get3A_91 = tpu.vector_load %arg10[%get3A_89, %get3A_90] {strides = array<i32>} : memref<128x128xf32, #tpu.memory_space<vmem>>, vector<1x16xf32>,
          %get3A_92 = vector.shape_cast %get3A_91 : vector<1x16xf32> to vector<16xf32>
          %mul3A_93 = arith.mulf %get3A_88, %get3A_92 : vector<16xf32>
          %swap3A_94 = arith.index_cast %scan3A_57 : i32 to index
          %swap3A_95 = arith.constant 32 : index
          %swap3A_96 = tpu.vector_load %arg9[%swap3A_94, %swap3A_95] {strides = array<i32>} : memref<128x128xf32, #tpu.memory_space<vmem>>, vector<1x16xf32>,
          %swap3A_97 = vector.shape_cast %swap3A_96 : vector<1x16xf32> to vector<16xf32>
          %swap3A_98 = vector.shape_cast %mul3A_93 : vector<16xf32> to vector<1x16xf32>
          tpu.vector_store %arg9[%swap3A_94, %swap3A_95], %swap3A_98 {strides = array<i32>} : memref<128x128xf32, #tpu.memory_space<vmem>>, vector<1x16xf32>,
          %get3A_99 = arith.index_cast %scan3A_57 : i32 to index
          %get3A_100 = arith.constant 48 : index
          %get3A_101 = tpu.vector_load %arg9[%get3A_99, %get3A_100] {strides = array<i32>} : memref<128x128xf32, #tpu.memory_space<vmem>>, vector<1x16xf32>,
          %get3A_102 = vector.shape_cast %get3A_101 : vector<1x16xf32> to vector<16xf32>
          %get3A_103 = arith.index_cast %scan3A_57 : i32 to index
          %get3A_104 = arith.constant 48 : index
          %get3A_105 = tpu.vector_load %arg10[%get3A_103, %get3A_104] {strides = array<i32>} : memref<128x128xf32, #tpu.memory_space<vmem>>, vector<1x16xf32>,
          %get3A_106 = vector.shape_cast %get3A_105 : vector<1x16xf32> to vector<16xf32>
          %mul3A_107 = arith.mulf %get3A_102, %get3A_106 : vector<16xf32>
          %swap3A_108 = arith.index_cast %scan3A_57 : i32 to index
          %swap3A_109 = arith.constant 48 : index
          %swap3A_110 = tpu.vector_load %arg9[%swap3A_108, %swap3A_109] {strides = array<i32>} : memref<128x128xf32, #tpu.memory_space<vmem>>, vector<1x16xf32>,
          %swap3A_111 = vector.shape_cast %swap3A_110 : vector<1x16xf32> to vector<16xf32>
          %swap3A_112 = vector.shape_cast %mul3A_107 : vector<16xf32> to vector<1x16xf32>
          tpu.vector_store %arg9[%swap3A_108, %swap3A_109], %swap3A_112 {strides = array<i32>} : memref<128x128xf32, #tpu.memory_space<vmem>>, vector<1x16xf32>,
          %get3A_113 = arith.index_cast %scan3A_57 : i32 to index
          %get3A_114 = arith.constant 64 : index
          %get3A_115 = tpu.vector_load %arg9[%get3A_113, %get3A_114] {strides = array<i32>} : memref<128x128xf32, #tpu.memory_space<vmem>>, vector<1x16xf32>,
          %get3A_116 = vector.shape_cast %get3A_115 : vector<1x16xf32> to vector<16xf32>
          %get3A_117 = arith.index_cast %scan3A_57 : i32 to index
          %get3A_118 = arith.constant 64 : index
          %get3A_119 = tpu.vector_load %arg10[%get3A_117, %get3A_118] {strides = array<i32>} : memref<128x128xf32, #tpu.memory_space<vmem>>, vector<1x16xf32>,
          %get3A_120 = vector.shape_cast %get3A_119 : vector<1x16xf32> to vector<16xf32>
          %mul3A_121 = arith.mulf %get3A_116, %get3A_120 : vector<16xf32>
          %swap3A_122 = arith.index_cast %scan3A_57 : i32 to index
          %swap3A_123 = arith.constant 64 : index
          %swap3A_124 = tpu.vector_load %arg9[%swap3A_122, %swap3A_123] {strides = array<i32>} : memref<128x128xf32, #tpu.memory_space<vmem>>, vector<1x16xf32>,
          %swap3A_125 = vector.shape_cast %swap3A_124 : vector<1x16xf32> to vector<16xf32>
          %swap3A_126 = vector.shape_cast %mul3A_121 : vector<16xf32> to vector<1x16xf32>
          tpu.vector_store %arg9[%swap3A_122, %swap3A_123], %swap3A_126 {strides = array<i32>} : memref<128x128xf32, #tpu.memory_space<vmem>>, vector<1x16xf32>,
          %get3A_127 = arith.index_cast %scan3A_57 : i32 to index
          %get3A_128 = arith.constant 80 : index
          %get3A_129 = tpu.vector_load %arg9[%get3A_127, %get3A_128] {strides = array<i32>} : memref<128x128xf32, #tpu.memory_space<vmem>>, vector<1x16xf32>,
          %get3A_130 = vector.shape_cast %get3A_129 : vector<1x16xf32> to vector<16xf32>
          %get3A_131 = arith.index_cast %scan3A_57 : i32 to index
          %get3A_132 = arith.constant 80 : index
          %get3A_133 = tpu.vector_load %arg10[%get3A_131, %get3A_132] {strides = array<i32>} : memref<128x128xf32, #tpu.memory_space<vmem>>, vector<1x16xf32>,
          %get3A_134 = vector.shape_cast %get3A_133 : vector<1x16xf32> to vector<16xf32>
          %mul3A_135 = arith.mulf %get3A_130, %get3A_134 : vector<16xf32>
          %swap3A_136 = arith.index_cast %scan3A_57 : i32 to index
          %swap3A_137 = arith.constant 80 : index
          %swap3A_138 = tpu.vector_load %arg9[%swap3A_136, %swap3A_137] {strides = array<i32>} : memref<128x128xf32, #tpu.memory_space<vmem>>, vector<1x16xf32>,
          %swap3A_139 = vector.shape_cast %swap3A_138 : vector<1x16xf32> to vector<16xf32>
          %swap3A_140 = vector.shape_cast %mul3A_135 : vector<16xf32> to vector<1x16xf32>
          tpu.vector_store %arg9[%swap3A_136, %swap3A_137], %swap3A_140 {strides = array<i32>} : memref<128x128xf32, #tpu.memory_space<vmem>>, vector<1x16xf32>,
          %get3A_141 = arith.index_cast %scan3A_57 : i32 to index
          %get3A_142 = arith.constant 96 : index
          %get3A_143 = tpu.vector_load %arg9[%get3A_141, %get3A_142] {strides = array<i32>} : memref<128x128xf32, #tpu.memory_space<vmem>>, vector<1x16xf32>,
          %get3A_144 = vector.shape_cast %get3A_143 : vector<1x16xf32> to vector<16xf32>
          %get3A_145 = arith.index_cast %scan3A_57 : i32 to index
          %get3A_146 = arith.constant 96 : index
          %get3A_147 = tpu.vector_load %arg10[%get3A_145, %get3A_146] {strides = array<i32>} : memref<128x128xf32, #tpu.memory_space<vmem>>, vector<1x16xf32>,
          %get3A_148 = vector.shape_cast %get3A_147 : vector<1x16xf32> to vector<16xf32>
          %mul3A_149 = arith.mulf %get3A_144, %get3A_148 : vector<16xf32>
          %swap3A_150 = arith.index_cast %scan3A_57 : i32 to index
          %swap3A_151 = arith.constant 96 : index
          %swap3A_152 = tpu.vector_load %arg9[%swap3A_150, %swap3A_151] {strides = array<i32>} : memref<128x128xf32, #tpu.memory_space<vmem>>, vector<1x16xf32>,
          %swap3A_153 = vector.shape_cast %swap3A_152 : vector<1x16xf32> to vector<16xf32>
          %swap3A_154 = vector.shape_cast %mul3A_149 : vector<16xf32> to vector<1x16xf32>
          tpu.vector_store %arg9[%swap3A_150, %swap3A_151], %swap3A_154 {strides = array<i32>} : memref<128x128xf32, #tpu.memory_space<vmem>>, vector<1x16xf32>,
          %get3A_155 = arith.index_cast %scan3A_57 : i32 to index
          %get3A_156 = arith.constant 112 : index
          %get3A_157 = tpu.vector_load %arg9[%get3A_155, %get3A_156] {strides = array<i32>} : memref<128x128xf32, #tpu.memory_space<vmem>>, vector<1x16xf32>,
          %get3A_158 = vector.shape_cast %get3A_157 : vector<1x16xf32> to vector<16xf32>
          %get3A_159 = arith.index_cast %scan3A_57 : i32 to index
          %get3A_160 = arith.constant 112 : index
          %get3A_161 = tpu.vector_load %arg10[%get3A_159, %get3A_160] {strides = array<i32>} : memref<128x128xf32, #tpu.memory_space<vmem>>, vector<1x16xf32>,
          %get3A_162 = vector.shape_cast %get3A_161 : vector<1x16xf32> to vector<16xf32>
          %mul3A_163 = arith.mulf %get3A_158, %get3A_162 : vector<16xf32>
          %swap3A_164 = arith.index_cast %scan3A_57 : i32 to index
          %swap3A_165 = arith.constant 112 : index
          %swap3A_166 = tpu.vector_load %arg9[%swap3A_164, %swap3A_165] {strides = array<i32>} : memref<128x128xf32, #tpu.memory_space<vmem>>, vector<1x16xf32>,
          %swap3A_167 = vector.shape_cast %swap3A_166 : vector<1x16xf32> to vector<16xf32>
          %swap3A_168 = vector.shape_cast %mul3A_163 : vector<16xf32> to vector<1x16xf32>
          tpu.vector_store %arg9[%swap3A_164, %swap3A_165], %swap3A_168 {strides = array<i32>} : memref<128x128xf32, #tpu.memory_space<vmem>>, vector<1x16xf32>,
          %scan3A_169 = arith.constant 0 : i32
          scf.yield %scan3A_169 : i32
        }
        %scan3A_56 = arith.constant 128 : i32
        "tpu.region"() ({
          %run_scoped3A = tpu.sem_alloc : memref<!tpu.dma_semaphore, #tpu.memory_space<semaphore_mem>>
          %dma_start3A_57 = arith.constant 0 : i32
          %dma_start3A_58 = arith.constant 0 : i32
          %dma_start3A_59 = tpu.memref_slice %arg11[%dma_start3A_57, %dma_start3A_58] : memref<10000x128xf32, #tpu.memory_space<vmem_shared>> -> memref<10000x128xf32, #tpu.memory_space<vmem_shared>>
          tpu.enqueue_indirect_dma source(%arg9 : memref<128x128xf32, #tpu.memory_space<vmem>>) target(%dma_start3A_59 : memref<10000x128xf32, #tpu.memory_space<vmem_shared>>) offsets(%arg8 : memref<128xi32, #tpu.memory_space<vmem>>) semaphore(%run_scoped3A : memref<!tpu.dma_semaphore, #tpu.memory_space<semaphore_mem>>) {add = true}
          %dma_wait3A_60 = arith.constant 0 : i32
          %dma_wait3A_61 = arith.constant 0 : i32
          %dma_wait3A_62 = tpu.memref_slice %arg11[%dma_wait3A_60, %dma_wait3A_61] : memref<10000x128xf32, #tpu.memory_space<vmem_shared>> -> memref<10000x128xf32, #tpu.memory_space<vmem_shared>>
          tpu.wait_indirect_dma semaphore(%run_scoped3A : memref<!tpu.dma_semaphore, #tpu.memory_space<semaphore_mem>>) src(%arg9 : memref<128x128xf32, #tpu.memory_space<vmem>>) dst(%dma_wait3A_62 : memref<10000x128xf32, #tpu.memory_space<vmem_shared>>)
          tpu.yield
        }) : () -> ()
      } else {
      }
      %scan3A_43 = arith.constant 0 : i32
      scf.yield %scan3A_43 : i32
    }
    %scan3A_21 = arith.constant 79 : i32
    %barrier3A_22 = arith.constant 0 : index
    tpu.barrier barrier_id(%barrier3A_22)
    %lt3A_23 = arith.constant 15 : i32
    %lt3A_24 = arith.cmpi slt, %arg1, %lt3A_23 : i32
    %convert_element_type3A_25 = arith.extui %lt3A_24 : i1 to i32
    %cond3A_26 = arith.constant 0 : i32
    %cond3A_27 = arith.cmpi ne, %convert_element_type3A_25, %cond3A_26 : i32
    scf.if %cond3A_27 {
      %mul3A_33 = arith.constant 10000 : i32
      %mul3A_34 = arith.muli %arg0, %mul3A_33 : i32
      %add3A_35 = arith.addi %mul3A_34, %mul3A_8 : i32
      "tpu.region"() ({
        %run_scoped3A = tpu.sem_alloc : memref<!tpu.dma_semaphore, #tpu.memory_space<semaphore_mem>>
        %dma_start3A = arith.constant 0 : i32
        %dma_start3A_36 = tpu.memref_slice %arg6[%add3A_35, %dma_start3A] : memref<20000x128xf32, #tpu.memory_space<hbm>> -> memref<640x128xf32, #tpu.memory_space<hbm>>
        %dma_start3A_37 = arith.constant 0 : i32
        %dma_start3A_38 = tpu.memref_slice %arg11[%mul3A_8, %dma_start3A_37] : memref<10000x128xf32, #tpu.memory_space<vmem_shared>> -> memref<640x128xf32, #tpu.memory_space<vmem_shared>>
        tpu.enqueue_dma source(%dma_start3A_38 : memref<640x128xf32, #tpu.memory_space<vmem_shared>>) target(%dma_start3A_36 : memref<640x128xf32, #tpu.memory_space<hbm>>) target_semaphore(%run_scoped3A : memref<!tpu.dma_semaphore, #tpu.memory_space<semaphore_mem>>)
        %dma_wait3A = arith.constant 0 : i32
        %dma_wait3A_39 = tpu.memref_slice %arg6[%add3A_35, %dma_wait3A] : memref<20000x128xf32, #tpu.memory_space<hbm>> -> memref<640x128xf32, #tpu.memory_space<hbm>>
        %dma_wait3A_40 = arith.constant 0 : i32
        %dma_wait3A_41 = tpu.memref_slice %arg11[%mul3A_8, %dma_wait3A_40] : memref<10000x128xf32, #tpu.memory_space<vmem_shared>> -> memref<640x128xf32, #tpu.memory_space<vmem_shared>>
        tpu.wait_dma2 semaphore(%run_scoped3A : memref<!tpu.dma_semaphore, #tpu.memory_space<semaphore_mem>>) src(%dma_wait3A_41 : memref<640x128xf32, #tpu.memory_space<vmem_shared>>) dst(%dma_wait3A_39 : memref<640x128xf32, #tpu.memory_space<hbm>>)
        tpu.yield
      }) : () -> ()
    } else {
    }
    %eq3A_28 = arith.constant 15 : i32
    %eq3A_29 = arith.cmpi eq, %arg1, %eq3A_28 : i32
    %convert_element_type3A_30 = arith.extui %eq3A_29 : i1 to i32
    %cond3A_31 = arith.constant 0 : i32
    %cond3A_32 = arith.cmpi ne, %convert_element_type3A_30, %cond3A_31 : i32
    scf.if %cond3A_32 {
      %mul3A_33 = arith.constant 10000 : i32
      %mul3A_34 = arith.muli %arg0, %mul3A_33 : i32
      %add3A_35 = arith.addi %mul3A_34, %mul3A_8 : i32
      "tpu.region"() ({
        %run_scoped3A = tpu.sem_alloc : memref<!tpu.dma_semaphore, #tpu.memory_space<semaphore_mem>>
        %dma_start3A = arith.constant 0 : i32
        %dma_start3A_36 = tpu.memref_slice %arg6[%add3A_35, %dma_start3A] : memref<20000x128xf32, #tpu.memory_space<hbm>> -> memref<400x128xf32, #tpu.memory_space<hbm>>
        %dma_start3A_37 = arith.constant 0 : i32
        %dma_start3A_38 = tpu.memref_slice %arg11[%mul3A_8, %dma_start3A_37] : memref<10000x128xf32, #tpu.memory_space<vmem_shared>> -> memref<400x128xf32, #tpu.memory_space<vmem_shared>>
        tpu.enqueue_dma source(%dma_start3A_38 : memref<400x128xf32, #tpu.memory_space<vmem_shared>>) target(%dma_start3A_36 : memref<400x128xf32, #tpu.memory_space<hbm>>) target_semaphore(%run_scoped3A : memref<!tpu.dma_semaphore, #tpu.memory_space<semaphore_mem>>)
        %dma_wait3A = arith.constant 0 : i32
        %dma_wait3A_39 = tpu.memref_slice %arg6[%add3A_35, %dma_wait3A] : memref<20000x128xf32, #tpu.memory_space<hbm>> -> memref<400x128xf32, #tpu.memory_space<hbm>>
        %dma_wait3A_40 = arith.constant 0 : i32
        %dma_wait3A_41 = tpu.memref_slice %arg11[%mul3A_8, %dma_wait3A_40] : memref<10000x128xf32, #tpu.memory_space<vmem_shared>> -> memref<400x128xf32, #tpu.memory_space<vmem_shared>>
        tpu.wait_dma2 semaphore(%run_scoped3A : memref<!tpu.dma_semaphore, #tpu.memory_space<semaphore_mem>>) src(%dma_wait3A_41 : memref<400x128xf32, #tpu.memory_space<vmem_shared>>) dst(%dma_wait3A_39 : memref<400x128xf32, #tpu.memory_space<hbm>>)
        tpu.yield
      }) : () -> ()
    } else {
    }
    return
  }
}

module attributes {stable_mosaic.version = 14 : i64} {
  func.func @_hw_body(%arg0: i32, %arg1: memref<1000x128xf32, #tpu.memory_space<vmem>>, %arg2: memref<128x128xf32, #tpu.memory_space<vmem>>, %arg3: memref<1000x128xf32, #tpu.memory_space<vmem>>) attributes {dimension_semantics = [#tpu.dimension_semantics<arbitrary>], iteration_bounds = array<i64: 10>, scalar_prefetch = 0 : i64, scratch_operands = 0 : i64, tpu.core_type = #tpu.core_type<tc>, window_params = [{transform_indices = @transform_0, window_bounds = array<i64: 1000, 128>}, {pipeline_mode = #tpu.pipeline_mode<synchronous>, transform_indices = @transform_1, window_bounds = array<i64: 128, 128>}, {transform_indices = @transform_2, window_bounds = array<i64: 1000, 128>}]} {
    %get3A = arith.constant 0 : index
    %get3A_0 = arith.constant 0 : index
    %get3A_1 = vector.load %arg1[%get3A, %get3A_0] : memref<1000x128xf32, #tpu.memory_space<vmem>>, vector<1000x128xf32>
    %get3A_2 = arith.constant 0 : index
    %get3A_3 = arith.constant 0 : index
    %get3A_4 = vector.load %arg2[%get3A_2, %get3A_3] : memref<128x128xf32, #tpu.memory_space<vmem>>, vector<128x128xf32>
    %dot_general3A = arith.constant dense<0.000000e+00> : vector<1000x128xf32>
    %dot_general3A_5 = tpu.matmul %get3A_1, %get3A_4, %dot_general3A {dimension_numbers = #tpu.dot_dimension_numbers<[1], [1], [0], [0], [0, 0, 1, 0], [], []>, transpose_lhs_hint = false} : vector<1000x128xf32>, vector<128x128xf32>, vector<1000x128xf32> -> vector<1000x128xf32>
    %swap3A = arith.constant 0 : index
    %swap3A_6 = arith.constant 0 : index
    %swap3A_7 = vector.load %arg3[%swap3A, %swap3A_6] : memref<1000x128xf32, #tpu.memory_space<vmem>>, vector<1000x128xf32>
    tpu.vector_store %arg3[%swap3A, %swap3A_6], %dot_general3A_5 {strides = array<i32>} : memref<1000x128xf32, #tpu.memory_space<vmem>>, vector<1000x128xf32>,
    return
  }
  func.func @transform_0(%arg0: i32) -> (i32, i32) {
    %c0_i32 = arith.constant 0 : i32
    %c0_i32_0 = arith.constant 0 : i32
    return %arg0, %c0_i32 : i32, i32
  }
  func.func @transform_1(%arg0: i32) -> (i32, i32) {
    %c0_i32 = arith.constant 0 : i32
    %c0_i32_0 = arith.constant 0 : i32
    %c0_i32_1 = arith.constant 0 : i32
    return %c0_i32, %c0_i32_0 : i32, i32
  }
  func.func @transform_2(%arg0: i32) -> (i32, i32) {
    %c0_i32 = arith.constant 0 : i32
    %c0_i32_0 = arith.constant 0 : i32
    return %arg0, %c0_i32 : i32, i32
  }
}

module attributes {stable_mosaic.version = 14 : i64} {
  func.func @_filter_body(%arg0: i32, %arg1: memref<2000x128xf32, #tpu.memory_space<vmem>>, %arg2: memref<128x128xf32, #tpu.memory_space<vmem>>, %arg3: memref<1x128xf32, #tpu.memory_space<vmem>>, %arg4: memref<128x128xf32, #tpu.memory_space<vmem>>, %arg5: memref<1x128xf32, #tpu.memory_space<vmem>>, %arg6: memref<2000x128xf32, #tpu.memory_space<vmem>>) attributes {dimension_semantics = [#tpu.dimension_semantics<arbitrary>], iteration_bounds = array<i64: 160>, scalar_prefetch = 0 : i64, scratch_operands = 0 : i64, tpu.core_type = #tpu.core_type<tc>, window_params = [{transform_indices = @transform_0, window_bounds = array<i64: 2000, 128>}, {pipeline_mode = #tpu.pipeline_mode<synchronous>, transform_indices = @transform_1, window_bounds = array<i64: 128, 128>}, {pipeline_mode = #tpu.pipeline_mode<synchronous>, transform_indices = @transform_2, window_bounds = array<i64: 1, 128>}, {pipeline_mode = #tpu.pipeline_mode<synchronous>, transform_indices = @transform_3, window_bounds = array<i64: 128, 128>}, {pipeline_mode = #tpu.pipeline_mode<synchronous>, transform_indices = @transform_4, window_bounds = array<i64: 1, 128>}, {transform_indices = @transform_5, window_bounds = array<i64: 2000, 128>}]} {
    %get3A = arith.constant 0 : index
    %get3A_0 = arith.constant 0 : index
    %get3A_1 = vector.load %arg1[%get3A, %get3A_0] : memref<2000x128xf32, #tpu.memory_space<vmem>>, vector<2000x128xf32>
    %get3A_2 = arith.constant 0 : index
    %get3A_3 = arith.constant 0 : index
    %get3A_4 = vector.load %arg2[%get3A_2, %get3A_3] : memref<128x128xf32, #tpu.memory_space<vmem>>, vector<128x128xf32>
    %dot_general3A = arith.constant dense<0.000000e+00> : vector<2000x128xf32>
    %dot_general3A_5 = tpu.matmul %get3A_1, %get3A_4, %dot_general3A {dimension_numbers = #tpu.dot_dimension_numbers<[1], [1], [0], [0], [0, 0, 1, 0], [], []>, transpose_lhs_hint = false} : vector<2000x128xf32>, vector<128x128xf32>, vector<2000x128xf32> -> vector<2000x128xf32>
    %get3A_6 = arith.constant 0 : index
    %get3A_7 = arith.constant 0 : index
    %get3A_8 = vector.load %arg3[%get3A_6, %get3A_7] : memref<1x128xf32, #tpu.memory_space<vmem>>, vector<1x128xf32>
    %add3A = vector.broadcast %get3A_8 : vector<1x128xf32> to vector<2000x128xf32>
    %add3A_9 = arith.addf %dot_general3A_5, %add3A : vector<2000x128xf32>
    %custom_jvp_call3A = arith.constant 0.000000e+00 : f32
    %max3A = vector.broadcast %custom_jvp_call3A : f32 to vector<2000x128xf32>
    %max3A_10 = arith.maximumf %add3A_9, %max3A : vector<2000x128xf32>
    %sub3A = vector.broadcast %custom_jvp_call3A : f32 to vector<2000x128xf32>
    %sub3A_11 = arith.subf %add3A_9, %sub3A : vector<2000x128xf32>
    %ne3A = arith.cmpf one, %sub3A_11, %sub3A_11 : vector<2000x128xf32>
    %add3A_12 = vector.broadcast %custom_jvp_call3A : f32 to vector<2000x128xf32>
    %add3A_13 = arith.addf %add3A_9, %add3A_12 : vector<2000x128xf32>
    %abs3A = math.absf %sub3A_11 : vector<2000x128xf32>
    %neg3A = arith.constant 0.000000e+00 : f32
    %neg3A_14 = vector.broadcast %neg3A : f32 to vector<2000x128xf32>
    %neg3A_15 = arith.subf %neg3A_14, %abs3A : vector<2000x128xf32>
    %exp3A = math.exp %neg3A_15 : vector<2000x128xf32>
    %log1p3A = math.log1p %exp3A : vector<2000x128xf32>
    %add3A_16 = arith.addf %max3A_10, %log1p3A : vector<2000x128xf32>
    %select_n3A = arith.select %ne3A, %add3A_13, %add3A_16 : vector<2000x128xi1>, vector<2000x128xf32>
    %log3A = arith.constant 2.000000e+00 : f32
    %log3A_17 = math.log %log3A : f32
    %sub3A_18 = vector.broadcast %log3A_17 : f32 to vector<2000x128xf32>
    %sub3A_19 = arith.subf %select_n3A, %sub3A_18 : vector<2000x128xf32>
    %get3A_20 = arith.constant 0 : index
    %get3A_21 = arith.constant 0 : index
    %get3A_22 = vector.load %arg4[%get3A_20, %get3A_21] : memref<128x128xf32, #tpu.memory_space<vmem>>, vector<128x128xf32>
    %dot_general3A_23 = arith.constant dense<0.000000e+00> : vector<2000x128xf32>
    %dot_general3A_24 = tpu.matmul %sub3A_19, %get3A_22, %dot_general3A_23 {dimension_numbers = #tpu.dot_dimension_numbers<[1], [1], [0], [0], [0, 0, 1, 0], [], []>, transpose_lhs_hint = false} : vector<2000x128xf32>, vector<128x128xf32>, vector<2000x128xf32> -> vector<2000x128xf32>
    %get3A_25 = arith.constant 0 : index
    %get3A_26 = arith.constant 0 : index
    %get3A_27 = vector.load %arg5[%get3A_25, %get3A_26] : memref<1x128xf32, #tpu.memory_space<vmem>>, vector<1x128xf32>
    %add3A_28 = vector.broadcast %get3A_27 : vector<1x128xf32> to vector<2000x128xf32>
    %add3A_29 = arith.addf %dot_general3A_24, %add3A_28 : vector<2000x128xf32>
    %custom_jvp_call3A_30 = arith.constant 0.000000e+00 : f32
    %max3A_31 = vector.broadcast %custom_jvp_call3A_30 : f32 to vector<2000x128xf32>
    %max3A_32 = arith.maximumf %add3A_29, %max3A_31 : vector<2000x128xf32>
    %sub3A_33 = vector.broadcast %custom_jvp_call3A_30 : f32 to vector<2000x128xf32>
    %sub3A_34 = arith.subf %add3A_29, %sub3A_33 : vector<2000x128xf32>
    %ne3A_35 = arith.cmpf one, %sub3A_34, %sub3A_34 : vector<2000x128xf32>
    %add3A_36 = vector.broadcast %custom_jvp_call3A_30 : f32 to vector<2000x128xf32>
    %add3A_37 = arith.addf %add3A_29, %add3A_36 : vector<2000x128xf32>
    %abs3A_38 = math.absf %sub3A_34 : vector<2000x128xf32>
    %neg3A_39 = arith.constant 0.000000e+00 : f32
    %neg3A_40 = vector.broadcast %neg3A_39 : f32 to vector<2000x128xf32>
    %neg3A_41 = arith.subf %neg3A_40, %abs3A_38 : vector<2000x128xf32>
    %exp3A_42 = math.exp %neg3A_41 : vector<2000x128xf32>
    %log1p3A_43 = math.log1p %exp3A_42 : vector<2000x128xf32>
    %add3A_44 = arith.addf %max3A_32, %log1p3A_43 : vector<2000x128xf32>
    %select_n3A_45 = arith.select %ne3A_35, %add3A_37, %add3A_44 : vector<2000x128xi1>, vector<2000x128xf32>
    %log3A_46 = arith.constant 2.000000e+00 : f32
    %log3A_47 = math.log %log3A_46 : f32
    %sub3A_48 = vector.broadcast %log3A_47 : f32 to vector<2000x128xf32>
    %sub3A_49 = arith.subf %select_n3A_45, %sub3A_48 : vector<2000x128xf32>
    %swap3A = arith.constant 0 : index
    %swap3A_50 = arith.constant 0 : index
    %swap3A_51 = vector.load %arg6[%swap3A, %swap3A_50] : memref<2000x128xf32, #tpu.memory_space<vmem>>, vector<2000x128xf32>
    tpu.vector_store %arg6[%swap3A, %swap3A_50], %sub3A_49 {strides = array<i32>} : memref<2000x128xf32, #tpu.memory_space<vmem>>, vector<2000x128xf32>,
    return
  }
  func.func @transform_0(%arg0: i32) -> (i32, i32) {
    %c0_i32 = arith.constant 0 : i32
    %c0_i32_0 = arith.constant 0 : i32
    return %arg0, %c0_i32 : i32, i32
  }
  func.func @transform_1(%arg0: i32) -> (i32, i32) {
    %c0_i32 = arith.constant 0 : i32
    %c0_i32_0 = arith.constant 0 : i32
    %c0_i32_1 = arith.constant 0 : i32
    return %c0_i32, %c0_i32_0 : i32, i32
  }
  func.func @transform_2(%arg0: i32) -> (i32, i32) {
    %c0_i32 = arith.constant 0 : i32
    %c0_i32_0 = arith.constant 0 : i32
    %c0_i32_1 = arith.constant 0 : i32
    return %c0_i32, %c0_i32_0 : i32, i32
  }
  func.func @transform_3(%arg0: i32) -> (i32, i32) {
    %c0_i32 = arith.constant 0 : i32
    %c0_i32_0 = arith.constant 0 : i32
    %c0_i32_1 = arith.constant 0 : i32
    return %c0_i32, %c0_i32_0 : i32, i32
  }
  func.func @transform_4(%arg0: i32) -> (i32, i32) {
    %c0_i32 = arith.constant 0 : i32
    %c0_i32_0 = arith.constant 0 : i32
    %c0_i32_1 = arith.constant 0 : i32
    return %c0_i32, %c0_i32_0 : i32, i32
  }
  func.func @transform_5(%arg0: i32) -> (i32, i32) {
    %c0_i32 = arith.constant 0 : i32
    %c0_i32_0 = arith.constant 0 : i32
    return %arg0, %c0_i32 : i32, i32
  }
}

module attributes {stable_mosaic.version = 14 : i64} {
  func.func @_add_body(%arg0: i32, %arg1: memref<1000x128xf32, #tpu.memory_space<vmem>>, %arg2: memref<1000x128xf32, #tpu.memory_space<vmem>>, %arg3: memref<1000x128xf32, #tpu.memory_space<vmem>>) attributes {dimension_semantics = [#tpu.dimension_semantics<arbitrary>], iteration_bounds = array<i64: 10>, scalar_prefetch = 0 : i64, scratch_operands = 0 : i64, tpu.core_type = #tpu.core_type<tc>, window_params = [{transform_indices = @transform_0, window_bounds = array<i64: 1000, 128>}, {transform_indices = @transform_1, window_bounds = array<i64: 1000, 128>}, {transform_indices = @transform_2, window_bounds = array<i64: 1000, 128>}]} {
    %get3A = arith.constant 0 : index
    %get3A_0 = arith.constant 0 : index
    %get3A_1 = vector.load %arg1[%get3A, %get3A_0] : memref<1000x128xf32, #tpu.memory_space<vmem>>, vector<1000x128xf32>
    %get3A_2 = arith.constant 0 : index
    %get3A_3 = arith.constant 0 : index
    %get3A_4 = vector.load %arg2[%get3A_2, %get3A_3] : memref<1000x128xf32, #tpu.memory_space<vmem>>, vector<1000x128xf32>
    %add3A = arith.addf %get3A_1, %get3A_4 : vector<1000x128xf32>
    %swap3A = arith.constant 0 : index
    %swap3A_5 = arith.constant 0 : index
    %swap3A_6 = vector.load %arg3[%swap3A, %swap3A_5] : memref<1000x128xf32, #tpu.memory_space<vmem>>, vector<1000x128xf32>
    tpu.vector_store %arg3[%swap3A, %swap3A_5], %add3A {strides = array<i32>} : memref<1000x128xf32, #tpu.memory_space<vmem>>, vector<1000x128xf32>,
    return
  }
  func.func @transform_0(%arg0: i32) -> (i32, i32) {
    %c0_i32 = arith.constant 0 : i32
    %c0_i32_0 = arith.constant 0 : i32
    return %arg0, %c0_i32 : i32, i32
  }
  func.func @transform_1(%arg0: i32) -> (i32, i32) {
    %add3A = arith.constant 10 : i32
    %add3A_0 = arith.addi %arg0, %add3A : i32
    %c0_i32 = arith.constant 0 : i32
    %c0_i32_1 = arith.constant 0 : i32
    return %add3A_0, %c0_i32 : i32, i32
  }
  func.func @transform_2(%arg0: i32) -> (i32, i32) {
    %c0_i32 = arith.constant 0 : i32
    %c0_i32_0 = arith.constant 0 : i32
    return %arg0, %c0_i32 : i32, i32
  }
}

</mosaic_0001>

<sc_bundles>
// kernel: kernel.6.cloned.1.call-start
scs
__scs_entry_jumppad:
0x0: {  	(pc) =	sbr.rel $0x88, $3  }
0x1: {  	(tag) =	ssettag $0x0;
	lr =	simm.s32 $0x1  }
0x2: {  	[smem:$0x3F99] =	sst lr;
	_ =	strace $0xD0000000  }
0x3: {  	_ = 	snop  }
0x4: {  	_ = 	snop  }
0x5: {  	_ = 	snop  }
0x6: {  	_ = 	snop  }
0x7: {  	_ = 	snop  }
__scs_overlays_trampoline_lowered:
0x8: {  	[smem:$0x3FA8] =	sst s0  }
0x9: {  	[smem:$0x3FA9] =	sst s1  }
0xa: {  	[smem:$0x3FAA] =	sst s2  }
0xb: {  	[smem:$0x3FAB] =	sst s3  }
0xc: {  	[smem:$0x3FAC] =	sst s4  }
0xd: {  	[smem:$0x3FAD] =	sst s5  }
0xe: {  	[smem:$0x3FAE] =	sst s6  }
0xf: {  	[smem:$0x3FAF] =	sst s7  }
0x10: {  	[smem:$0x3FB0] =	sst s8  }
0x11: {  	[smem:$0x3FB1] =	sst s9;
	s0 =	simm.s32 @!p0 $0x0  }
0x12: {  	s1 =	sld [smem:$0x3F97];
	s0 =	simm.s32 @p0 $0x1  }
0x13: {  	[smem:$0x3FB2] =	sst s0;
	s0 =	simm.s32 @!p1 $0x0  }
0x14: {  	s2 =	sld [smem:$0x3F96];
	s0 =	simm.s32 @p1 $0x1  }
0x15: {  	[smem:$0x3FB3] =	sst s0;
	s0 =	simm.s32 @!p2 $0x0  }
0x16: {  	s3 =	sld [smem:$0x3FDB];
	s0 =	simm.s32 @p2 $0x1  }
0x17: {  	s4 =	simm.s32 $0x1BF5;
	[smem:$0x3FB5] =	sst s0  }
0x18: {  	s0 =	sld [smem:$0x3F98];
	_ =	swait.ge [sflag:s4], $0x0  }
0x19: {  	s7 =	sld [smem:$0x3F99]  }
0x1a: {  	s8 =	sadd.s32 $0xFFFFE003, lr  }
0x1b: {  	s9 =	sadd.s32 $0xFFFFFEF7, lr;
	s5 =	simm.s32 $0xFFFFFFFF;
	p2 =	slt.u32 s8, $0xFFFFF086  }
0x1c: {  	p1 =	slt.u32 s9, $0xF7A;
	s5 =	simm.s32 @!p2 $0x0  }
0x1d: {  	s5 =	simm.s32 @p1 $0x1;
	p0 =	seq.s32 s7, s2  }
0x1e: {  	s7 =	smul.u32 @!p0 $0xF7A, s2;
	p2 =	seq.s32 @!p0 s5, $0x0  }
0x1f: {  	s9 =	smul.u32 $0xF7A, s1;
	s8 =	simm.s32 @!p0 $0x1BF5;
	p2 =	por !p2, p0  }
0x20: {  	[sflag:s8] =	ssyncset.s32 @!p0 $0xFFFFF086;
	s6 =	sadd.s32 @!p0 s3, s7;
	s7 =	simm.s32 @!p0 $0x108  }
0x21: {  	s3 =	sadd.s32 s3, s9;
	s6 =	sadd.s32 @!p0 $0x88, s6;
	s7 =	simm.s32 @p2 $0x1082  }
0x22: {  	[simem:s7], [sflag:s8] =	dma.local @!p0 [hbm:s6], $0xF7A  }
0x23: {  	s9 =	sor.u32 $0xD0000000, s2;
	s6 =	simm.s32 $0x108;
	_ =	swait.ge @!p0 [sflag:s8], $0x0  }
0x24: {  	s3 =	sadd.s32 $0x88, s3;
	s6 =	simm.s32 @!p1 $0x1082;
	[sflag:s4] =	ssyncset.s32 $0xFFFFF086  }
0x25: {  	[simem:s6], [sflag:s4] =	dma.local [hbm:s3], $0xF7A  }
0x26: {  	[smem:$0x3F99] =	sst s1;
	(tag) =	ssettag s2;
	_ =	strace s9  }
0x27: {  	s1 =	sld [smem:$0x3FA9]  }
0x28: {  	s2 =	sld [smem:$0x3FAA]  }
0x29: {  	s4 =	sld [smem:$0x3FAC]  }
0x2a: {  	p0 =	seq.s32 s5, $0x0;
	s5 =	sld [smem:$0x3FAD]  }
0x2b: {  	s6 =	sld [smem:$0x3FAE]  }
0x2c: {  	s7 =	sld [smem:$0x3FAF]  }
0x2d: {  	s3 =	simm.s32 $0x108;
	s8 =	sld [smem:$0x3FB0]  }
0x2e: {  	s3 =	simm.s32 @!p0 $0x1082;
	s9 =	sld [smem:$0x3FB1]  }
0x2f: {  	lr =	sadd.s32 s0, s3;
	s0 =	sld [smem:$0x3FA8]  }
0x30: {  	s3 =	sld [smem:$0x3FAB]  }
0x31: {  	[smem:$0x3FB4] =	sst s10  }
0x32: {  	s10 =	sld [smem:$0x3FB2];
	_ =	sdelay $0x3  }
0x33: {  	p0 =	seq.s32 s10, $0x1;
	s10 =	sld [smem:$0x3FB4];
	_ =	sdelay $0x3  }
0x34: {  	[smem:$0x3FB4] =	sst s10  }
0x35: {  	s10 =	sld [smem:$0x3FB3];
	_ =	sdelay $0x3  }
0x36: {  	p1 =	seq.s32 s10, $0x1;
	s10 =	sld [smem:$0x3FB4];
	_ =	sdelay $0x3  }
0x37: {  	[smem:$0x3FB4] =	sst s10  }
0x38: {  	s10 =	sld [smem:$0x3FB5]  }
0x39: {  	_ = 	snop;
	(pc) =	sbr.ind lr, $3  }
0x3a: {  	_ = 	snop  }
0x3b: {  	_ = 	snop  }
0x3c: {  	p2 =	seq.s32 s10, $0x1;
	s10 =	sld [smem:$0x3FB4]  }
0x3d: {  	_ =	shalt  }
0x3e: {  	_ =	shalt  }
0x3f: {  	_ =	shalt  }
0x40: {  	_ =	shalt  }
0x41: {  	_ =	shalt  }
0x42: {  	_ =	shalt  }
0x43: {  	_ =	shalt  }
0x44: {  	_ =	shalt  }
0x45: {  	_ =	shalt  }
0x46: {  	_ =	shalt  }
0x47: {  	_ =	shalt  }
0x48: {  	_ =	shalt  }
0x49: {  	_ =	shalt  }
0x4a: {  	_ =	shalt  }
0x4b: {  	_ =	shalt  }
0x4c: {  	_ =	shalt  }
0x4d: {  	_ =	shalt  }
0x4e: {  	_ =	shalt  }
0x4f: {  	_ =	shalt  }
0x50: {  	_ =	shalt  }
0x51: {  	_ =	shalt  }
0x52: {  	_ =	shalt  }
0x53: {  	_ =	shalt  }
0x54: {  	_ =	shalt  }
0x55: {  	_ =	shalt  }
0x56: {  	_ =	shalt  }
0x57: {  	_ =	shalt  }
0x58: {  	_ =	shalt  }
0x59: {  	_ =	shalt  }
0x5a: {  	_ =	shalt  }
0x5b: {  	_ =	shalt  }
0x5c: {  	_ =	shalt  }
0x5d: {  	_ =	shalt  }
0x5e: {  	_ =	shalt  }
0x5f: {  	_ =	shalt  }
0x60: {  	_ =	shalt  }
0x61: {  	_ =	shalt  }
0x62: {  	_ =	shalt  }
0x63: {  	_ =	shalt  }
0x64: {  	_ =	shalt  }
0x65: {  	_ =	shalt  }
0x66: {  	_ =	shalt  }
0x67: {  	_ =	shalt  }
0x68: {  	_ =	shalt  }
0x69: {  	_ =	shalt  }
0x6a: {  	_ =	shalt  }
0x6b: {  	_ =	shalt  }
0x6c: {  	_ =	shalt  }
0x6d: {  	_ =	shalt  }
0x6e: {  	_ =	shalt  }
0x6f: {  	_ =	shalt  }
0x70: {  	_ =	shalt  }
0x71: {  	_ =	shalt  }
0x72: {  	_ =	shalt  }
0x73: {  	_ =	shalt  }
0x74: {  	_ =	shalt  }
0x75: {  	_ =	shalt  }
0x76: {  	_ =	shalt  }
0x77: {  	_ =	shalt  }
0x78: {  	_ =	shalt  }
0x79: {  	_ =	shalt  }
0x7a: {  	_ =	shalt  }
0x7b: {  	_ =	shalt  }
0x7c: {  	_ =	shalt  }
0x7d: {  	_ =	shalt  }
0x7e: {  	_ =	shalt  }
0x7f: {  	_ =	shalt  }
0x80: {  	_ =	shalt  }
0x81: {  	_ =	shalt  }
0x82: {  	_ =	shalt  }
0x83: {  	_ =	shalt  }
0x84: {  	_ =	shalt  }
0x85: {  	_ =	shalt  }
0x86: {  	_ =	shalt  }
0x87: {  	_ =	shalt  }
.Lfunc_end0:
.L_simem_size_0:
called_computation_lowered:
.L_overlay_start_0:
0x88: {  	s2 =	sld [smem:$0x3FD9]  }
0x89: {  	s3 =	sld [smem:$0x3FFE];
	_ =	sdelay $0x1  }
0x8a: {  	s1 =	srdreg.scid  }
0x8b: {  	s0 =	sand.u32 $0x1, s1  }
0x8c: {  	s17 =	sshll.u32 s0, $0xA;
	s2 =	sadd.s32 s3, s2  }
0x8d: {  	s2 =	sadd.s32 s2, s17  }
0x8e: {  	[smem:$0x3FC0] =	sst s2  }
0x8f: {  	_ = 	snop  }
0x90: {  	s2 =	sld [smem:$0x3FD0];
	(tm) =	ssettm $0x1  }
0x91: {  	s18 =	sld [smem:$0x3FFB];
	_ =	sdelay $0x3  }
0x92: {  	_ =	strace s18  }
0x93: {  	s3 =	sld [smem:$0x3FFC];
	_ =	sdelay $0x3  }
0x94: {  	_ =	strace s3  }
0x95: {  	s3 =	sld [smem:$0x3FFD];
	_ =	sdelay $0x3  }
0x96: {  	_ =	strace s3  }
0x97: {  	_ =	strace $0x8FFFFFFF  }
0x98: {  	s19 =	sld [smem:$0x3FDB];
	_ =	sdelay $0x1  }
0x99: {  	s4 =	simm.s32 $_scs_section_size  }
0x9a: {  	s5 =	simm.s32 $_size__tile_overlayer_lowered;
	s6 =	simm.s32 $_tile_overlayer_lowered  }
0x9b: {  	s22 =	simm.s32 $0x1BFF;
	s21 =	sshll.u32 s6, $0x1;
	s3 =	sadd.s32 s4, s19  }
0x9c: {  	s7 =	simm.s32 $0x0;
	s20 =	sshll.u32 s5, $0x1;
	s5 =	sadd.s32 s21, s3  }
0x9d: {  	[timem:s7], [sflag:s22] =	dma.local [hbm:s5], s20  }
0x9e: {  	_ =	swait.ge [sflag:s22], s20  }
0x9f: {  	s4 =	ssub.s32 $0x0, s20;
	[sflag:s22] =	ssyncset.done $0x0  }
0xa0: {  	[sflag:s22] =	ssyncadd.s32 s4;
	_ =	sdelay $0x1  }
0xa1: {  	s23 =	simm.s32 $0x1B8B  }
0xa2: {  	_ =	swait.ge [sflag:s23], $0x1  }
0xa3: {  	[sflag:s23] =	ssyncset.done $0x0  }
0xa4: {  	s25 =	simm.s32 $0x1B8E;
	s24 =	sld [smem:$0x3FFE];
	[sflag:s23] =	ssyncadd.s32 $0xFFFFFFFF  }
0xa5: {  	s26 =	simm.s32 $execute0_lowered;
	[smem:$0x3FD2] =	sst s25  }
0xa6: {  	s5 =	sshll.u32 s26, $0x1;
	_ =	strace $0x80000046;
	[dreg:$0x1] =	wrdreg $0xFFFFFFFF  }
0xa7: {  	s28 =	simm.s32 $_size_execute0_lowered;
	s3 =	sadd.s32 s3, s5;
	[dreg:$0x0] =	wrdreg $0x0  }
0xa8: {  	s5 =	sshll.u32 s28, $0x1;
	[dreg:$0x2] =	wrdreg s3  }
0xa9: {  	[dreg:$0x3] =	wrdreg s5  }
0xaa: {  	[dreg:$0x4] =	wrdreg $0xC0  }
0xab: {  	_ =	task [dreg:s7], $0x5FFFF  }
0xac: {  	[dreg:$0x1] =	wrdreg $0xFFFFFFFF  }
0xad: {  	[dreg:$0x0] =	wrdreg $0x60  }
0xae: {  	[dreg:$0x2] =	wrdreg s2  }
0xaf: {  	[dreg:$0x3] =	wrdreg s24  }
0xb0: {  	[dreg:$0x4] =	wrdreg $0x81000  }
0xb1: {  	[dreg:$0x5] =	wrdreg $0x9  }
0xb2: {  	_ =	task.clear_ibuf [dreg:s7], $0x6FFFF;
	_ =	strace $0x90000046  }
0xb3: {  	s29 =	simm.s32 $0x9;
	_ =	strace $0x80000048  }
0xb4: {  	_ =	swait.ge [sflag:s29], $0x1  }
0xb5: {  	[sflag:s29] =	ssyncadd.s32 $0xFFFFFFFF  }
0xb6: {  	_ =	strace $0x90000048  }
0xb7: {  	_ =	sfence  }
0xb8: {  	s30 =	sld [smem:$0x0];
	_ =	sdelay $0x2  }
0xb9: {  	s31 =	sshll.u32 s1, $0xD;
	s1 =	sshrl.u32 s1, $0x2  }
0xba: {  	s3 =	sand.u32 $0x4000, s31;
	s1 =	sadd.s32 s1, s30  }
0xbb: {  	s0 =	sor.u32 s3, s0;
	s1 =	sshll.u32 s1, $0x11  }
0xbc: {  	s0 =	sor.u32 s1, s0  }
0xbd: {  	s0 =	sadd.s32 $0x8F2B, s0  }
0xbe: {  	[sflag:s0] =	ssyncadd.remote.s32 $0x1  }
0xbf: {  	_ =	sfence.sel $0xFFFF  }
0xc0: {  	[dreg:$0x0] =	wrdreg $0xFFFFFFFF;
	(pc) =	sbr.abs _section_cstart, $3  }
0xc1: {  	[dreg:$0x1] =	wrdreg $0xFFFFFFFF  }
0xc2: {  	_ =	task.clear_ibuf [dreg:s7], $0x2FFFF;
	_ =	strace $0x9FFFFFFF  }
0xc3: {  	(tm) =	ssettm $0x7FFFFFFF  }
tec
execute0_lowered:
.L_overlay_start_1:
0x0: {  	(tag) =	ssettag $0x1  }
0x1: {  	s1 =	rddreg [dreg:$0x0]  }
0x2: {  	s9 =	rddreg [dreg:$0x1]  }
0x3: {  	s2 =	rddreg [dreg:$0x2]  }
0x4: {  	s4 =	simm.s32 $0x0;
	s6 =	srdreg.scid;
	s0 =	stileid.u32  }
0x5: {  	s23 =	simm.s32 $0x80;
	s24 =	simm.s32 $0x4100;
	s25 =	simm.s32 $0x100  }
0x6: {  	s26 =	simm.s32 $0x1;
	s28 =	simm.s32 $0x2;
	[smem:$0x7FF] =	sst s4  }
0x7: {  	s5 =	sadd.s32 $0x14800, s9;
	s6 =	sand.u32 $0x1, s6;
	s10 =	smul.u32 $0x50000, s0  }
0x8: {  	s7 =	sadd.s32 $0xAA00, s9;
	s8 =	sadd.s32 $0xC00, s9;
	s20 =	sadd.s32 $0x4F6800, s9  }
0x9: {  	s18 =	smul.u32 $0x2800, s0;
	s15 =	sadd.s32 $0x12C000, s2;
	s16 =	sadd.s32 $0x130000, s2  }
0xa: {  	s17 =	sadd.s32 $0x134000, s2;
	p0 =	seq.s32 s0, $0xF;
	s11 =	ssub.s32 $0x2, s6  }
0xb: {  	_ =	strace $0x80000047;
	s19 =	smul.u32 $0x27100, s6;
	s31 =	sshrl.u32 s11, $0x1  }
0xc: {  	s22 =	smul.u32 $0x138800, s6;
	s10 =	sshrl.u32 s10, $0x2;
	s21 =	ssub.s32 s11, s31  }
.Ltmp0:
0xd: {  	s9 =	sadd.s32 s10, s2;
	s10 =	sshll.u32 s0, $0x1;
	(pc) =	sbr.rel .LBB2_1-.Ltmp0, $4  }
0xe: {  	s19 =	sadd.s32 s18, s19;
	s22 =	sshrl.u32 s22, $0x3;
	s18 =	sadd.s32 $0x138000, s2  }
0xf: {  	s11 =	sadd.s32 $0x4000, s9;
	s12 =	sadd.s32 $0x8000, s9;
	s13 =	sadd.s32 $0xC000, s9  }
0x10: {  	s14 =	sadd.s32 $0x10000, s9;
	s19 =	sadd.s32 s20, s19;
	s20 =	sadd.s32 s20, s22  }
0x11: {  	v0 =	vimm.f32 $0.0e+00;
	s21 =	smax.u32 s21, $0x1;
	s22 =	simm.s32 $0x3;
	s20 =	sadd.s32 $0x25800, s20  }
.LBB2_9:
0x12: {  	[bflag:$0x0] =	sbarrier.arrive $0xFFFF;
	s0 =	sshrl.u32 @p0 s15, $0x3;
	s3 =	simm.s32 @p0 $0x1FC2  }
0x13: {  	[hbm:s20], [sflag:s3] =	dma.local @p0 [spmem:s0], $0x1900  }
0x14: {  	s0 =	simm.s32 @p0 $0x2  }
0x15: {  	s4 =	sadd.s32 $0x1, s4;
	s3 =	stileid.u32;
	_ =	swait.ge @p0 [sflag:s0], $0x1900  }
0x16: {  	p1 =	sne.s32 s4, s21;
	s3 =	sshll.u32 @!p0 s3, $0x6;
	[sflag:s0] =	ssyncset.done @p0 $0x0  }
0x17: {  	[sflag:s0] =	ssyncadd.s32 @p0 $0xFFFFE700;
	s0 =	sor.u32 @!p0 $0x1C02, s3;
	s3 =	sshrl.u32 @!p0 s9, $0x3  }
0x18: {  	[hbm:s19], [sflag:s0] =	dma.local @!p0 [spmem:s3], $0x2800  }
.Ltmp1:
0x19: {  	_ = 	snop;
	(pc) =	sbr.rel @!p1 .LBB2_10-.Ltmp1, $4  }
0x1a: {  	s0 =	simm.s32 @!p0 $0x2  }
0x1b: {  	_ =	swait.ge @!p0 [sflag:s0], $0x2800  }
0x1c: {  	[sflag:s0] =	ssyncset.done @!p0 $0x0  }
0x1d: {  	[sflag:s0] =	ssyncadd.s32 @!p0 $0xFFFFD800  }
.LBB2_1:
0x1e: {  	s29 =	simm.s32 $0x0;
	s30 =	simm.s32 $0x200  }
.LBB2_2:
0x1f: {  	p1 =	sne.s32 s30, $0xFE00;
	[tilespmem:s29+$0x4170] =	vst v0  }
0x20: {  	[tilespmem:s29+$0x4100] =	vst v0  }
0x21: {  	[tilespmem:s29+$0x4110] =	vst v0  }
.Ltmp2:
0x22: {  	[tilespmem:s29+$0x4120] =	vst v0;
	(pc) =	sbr.rel @p1 .LBB2_2-.Ltmp2, $4  }
0x23: {  	[tilespmem:s29+$0x4130] =	vst v0  }
0x24: {  	[tilespmem:s29+$0x4140] =	vst v0  }
0x25: {  	[tilespmem:s29+$0x4150] =	vst v0  }
0x26: {  	[tilespmem:s29+$0x4160] =	vst v0;
	s29 =	sshra.s32 s30, $0x2;
	s30 =	sadd.s32 $0x200, s30  }
0x27: {  	[tilespmem:s29+$0x4170] =	vst v0  }
0x28: {  	[tilespmem:s29+$0x4100] =	vst v0  }
0x29: {  	[tilespmem:s29+$0x4110] =	vst v0  }
0x2a: {  	[tilespmem:s29+$0x4120] =	vst v0  }
0x2b: {  	[tilespmem:s29+$0x4130] =	vst v0  }
0x2c: {  	[tilespmem:s29+$0x4140] =	vst v0  }
0x2d: {  	[tilespmem:s29+$0x4150] =	vst v0  }
0x2e: {  	[tilespmem:s29+$0x4160] =	vst v0;
	s29 =	simm.s32 @p0 $0x4100;
	s30 =	simm.s32 @p0 $0x2  }
0x2f: {  	[spmem:s15] =	stream.linear.scatter @p0 [tilespmem:s29], [sflag:$0x2], $0x4000, $0x38;
	[tilespmem:$0x1B980] =	vst v63  }
0x30: {  	_ =	swait.ge @p0 [sflag:s30], $0x4000  }
0x31: {  	[sflag:s30] =	ssyncset.done @p0 $0x0  }
0x32: {  	[sflag:s30] =	ssyncadd.s32 @p0 $0xFFFFC000  }
0x33: {  	[spmem:s16] =	stream.linear.scatter @p0 [tilespmem:s29], [sflag:$0x2], $0x4000, $0x38;
	[tilespmem:$0x1B980] =	vst v63  }
0x34: {  	_ =	swait.ge @p0 [sflag:s30], $0x4000  }
0x35: {  	[sflag:s30] =	ssyncset.done @p0 $0x0  }
0x36: {  	[sflag:s30] =	ssyncadd.s32 @p0 $0xFFFFC000  }
0x37: {  	[spmem:s17] =	stream.linear.scatter @p0 [tilespmem:s29], [sflag:$0x2], $0x4000, $0x38;
	[tilespmem:$0x1B980] =	vst v63  }
0x38: {  	_ =	swait.ge @p0 [sflag:s30], $0x4000  }
0x39: {  	[sflag:s30] =	ssyncset.done @p0 $0x0  }
0x3a: {  	[sflag:s30] =	ssyncadd.s32 @p0 $0xFFFFC000  }
0x3b: {  	[spmem:s18] =	stream.linear.scatter @p0 [tilespmem:s29], [sflag:$0x2], $0x800, $0x38;
	[tilespmem:$0x1B980] =	vst v63  }
0x3c: {  	_ =	swait.ge @p0 [sflag:s30], $0x800  }
0x3d: {  	[sflag:s30] =	ssyncset.done @p0 $0x0  }
0x3e: {  	s29 =	simm.s32 @!p0 $0x4100;
	[sflag:s30] =	ssyncadd.s32 @p0 $0xFFFFF800;
	s30 =	simm.s32 @!p0 $0x2  }
0x3f: {  	[spmem:s9] =	stream.linear.scatter @!p0 [tilespmem:s29], [sflag:$0x2], $0x4000, $0x38;
	[tilespmem:$0x1B980] =	vst v63  }
0x40: {  	_ =	swait.ge @!p0 [sflag:s30], $0x4000  }
0x41: {  	[sflag:s30] =	ssyncset.done @!p0 $0x0  }
0x42: {  	[sflag:s30] =	ssyncadd.s32 @!p0 $0xFFFFC000  }
0x43: {  	[spmem:s11] =	stream.linear.scatter @!p0 [tilespmem:s29], [sflag:$0x2], $0x4000, $0x38;
	[tilespmem:$0x1B980] =	vst v63  }
0x44: {  	_ =	swait.ge @!p0 [sflag:s30], $0x4000  }
0x45: {  	[sflag:s30] =	ssyncset.done @!p0 $0x0  }
0x46: {  	[sflag:s30] =	ssyncadd.s32 @!p0 $0xFFFFC000  }
0x47: {  	[spmem:s12] =	stream.linear.scatter @!p0 [tilespmem:s29], [sflag:$0x2], $0x4000, $0x38;
	[tilespmem:$0x1B980] =	vst v63  }
0x48: {  	_ =	swait.ge @!p0 [sflag:s30], $0x4000  }
0x49: {  	[sflag:s30] =	ssyncset.done @!p0 $0x0  }
0x4a: {  	[sflag:s30] =	ssyncadd.s32 @!p0 $0xFFFFC000  }
0x4b: {  	[spmem:s13] =	stream.linear.scatter @!p0 [tilespmem:s29], [sflag:$0x2], $0x4000, $0x38;
	[tilespmem:$0x1B980] =	vst v63  }
0x4c: {  	_ =	swait.ge @!p0 [sflag:s30], $0x4000  }
0x4d: {  	[sflag:s30] =	ssyncset.done @!p0 $0x0  }
0x4e: {  	[sflag:s30] =	ssyncadd.s32 @!p0 $0xFFFFC000  }
0x4f: {  	[spmem:s14] =	stream.linear.scatter @!p0 [tilespmem:s29], [sflag:$0x2], $0x4000, $0x38;
	[tilespmem:$0x1B980] =	vst v63  }
.Ltmp3:
0x50: {  	_ =	swait.ge @!p0 [sflag:s30], $0x4000;
	(pc) =	sbr.rel .LBB2_4-.Ltmp3, $4  }
0x51: {  	[sflag:s30] =	ssyncset.done @!p0 $0x0  }
0x52: {  	[sflag:s30] =	ssyncadd.s32 @!p0 $0xFFFFC000  }
0x53: {  	[bflag:$0x0] =	sbarrier.arrive $0xFFFF  }
0x54: {  	s29 =	simm.s32 $0x0  }
.LBB2_8:
0x55: {  	s29 =	sadd.s32 $0x1, s29  }
0x56: {  	p1 =	sne.s32 s29, $0x4F  }
.Ltmp4:
0x57: {  	_ = 	snop;
	(pc) =	sbr.rel @!p1 .LBB2_9-.Ltmp4, $1  }
0x58: {  	_ =	sdelay $0x3  }
.LBB2_4:
0x59: {  	s30 =	sshll.u32 s29, $0x5  }
0x5a: {  	s30 =	sor.u32 s10, s30  }
0x5b: {  	p1 =	sgt.u32 s30, $0x9C3  }
.Ltmp5:
0x5c: {  	_ = 	snop;
	(pc) =	sbr.rel @p1 .LBB2_8-.Ltmp5, $1  }
0x5d: {  	_ =	sdelay $0x3  }
0x5e: {  	s30 =	sor.u32 s6, s30  }
0x5f: {  	s31 =	sshll.u32 s30, $0x4  }
0x60: {  	s3 =	simm.s32 $0x0;
	s0 =	sadd.s32 s7, s31  }
0x61: {  	[tilespmem:s3], [sflag:$0x3] =	stream.linear.gather [hbm4b:s0+s3], $0x80, $0x38;
	[tilespmem:$0x1B980] =	vst v63  }
0x62: {  	_ =	swait.ge [sflag:s22], $0x80  }
0x63: {  	[sflag:s22] =	ssyncset.done $0x0  }
0x64: {  	s0 =	sadd.s32 s8, s31;
	[sflag:s22] =	ssyncadd.s32 $0xFFFFFF80  }
0x65: {  	[tilespmem:s23], [sflag:$0x3] =	stream.linear.gather [hbm4b:s0+s3], $0x80, $0x38;
	[tilespmem:$0x1B980] =	vst v63  }
0x66: {  	_ =	swait.ge [sflag:s22], $0x80  }
0x67: {  	s0 =	sshll.u32 s30, $0xB;
	[sflag:s22] =	ssyncset.done $0x0  }
0x68: {  	s0 =	sadd.s32 s5, s0;
	[sflag:s22] =	ssyncadd.s32 $0xFFFFFF80  }
0x69: {  	[tilespmem:s24], [sflag:$0x3] =	stream.linear.gather [hbm4b:s0+s3], $0x4000, $0x38;
	[tilespmem:$0x1B980] =	vst v63  }
0x6a: {  	_ =	swait.ge [sflag:s22], $0x4000  }
0x6b: {  	[sflag:s22] =	ssyncset.done $0x0  }
0x6c: {  	[sflag:s22] =	ssyncadd.s32 $0xFFFFC000  }
0x6d: {  	[tilespmem:s25], [sflag:$0x1] =	stream.indirect.gather [hbm4b:s1+s23], $0x80, s3, s23, $0xb8;
	[tilespmem:$0x1B980] =	vst v63  }
0x6e: {  	_ =	swait.ge [sflag:s26], $0x4000  }
0x6f: {  	[sflag:s26] =	ssyncset.done $0x0  }
0x70: {  	s30 =	simm.s32 $0x0;
	[sflag:s26] =	ssyncadd.s32 $0xFFFFC000  }
0x71: {  	v8 =	vld [tilespmem:s30+$0x4100]  }
0x72: {  	v12 =	vld [tilespmem:s30+$0x4110]  }
0x73: {  	v6 =	vld [tilespmem:s30+$0x4120]  }
0x74: {  	v5 =	vld [tilespmem:s30+$0x4130]  }
0x75: {  	v4 =	vld [tilespmem:s30+$0x4140]  }
0x76: {  	v3 =	vld [tilespmem:s30+$0x4150]  }
0x77: {  	v2 =	vld [tilespmem:s30+$0x4160]  }
0x78: {  	v1 =	vld [tilespmem:s30+$0x4170]  }
0x79: {  	v13 =	vld [tilespmem:s30+$0x100]  }
0x7a: {  	v14 =	vld [tilespmem:s30+$0x110]  }
0x7b: {  	v11 =	vld [tilespmem:s30+$0x120]  }
0x7c: {  	v10 =	vld [tilespmem:s30+$0x130]  }
0x7d: {  	v9 =	vld [tilespmem:s30+$0x140]  }
0x7e: {  	v7 =	vld [tilespmem:s30+$0x150];
	v13 =	vmul.f32 v8, v13  }
0x7f: {  	s31 =	simm.s32 $0x200;
	v12 =	vmul.f32 v12, v14;
	v8 =	vld [tilespmem:s30+$0x160]  }
.LBB2_6:
0x80: {  	s0 =	sshra.s32 s31, $0x2;
	p1 =	sne.s32 s31, $0xFE00;
	[tilespmem:s30+$0x100] =	vst v13;
	v6 =	vmul.f32 v6, v11;
	v11 =	vld [tilespmem:s30+$0x170]  }
0x81: {  	v13 =	vld [tilespmem:s0+$0x4100];
	[tilespmem:s30+$0x110] =	vst v12;
	v5 =	vmul.f32 v5, v10  }
0x82: {  	v12 =	vld [tilespmem:s0+$0x4110];
	[tilespmem:s30+$0x120] =	vst v6;
	v4 =	vmul.f32 v4, v9  }
0x83: {  	v6 =	vld [tilespmem:s0+$0x4120];
	[tilespmem:s30+$0x130] =	vst v5;
	v3 =	vmul.f32 v3, v7  }
0x84: {  	v5 =	vld [tilespmem:s0+$0x4130];
	[tilespmem:s30+$0x140] =	vst v4;
	v2 =	vmul.f32 v2, v8  }
0x85: {  	v4 =	vld [tilespmem:s0+$0x4140];
	[tilespmem:s30+$0x150] =	vst v3;
	v1 =	vmul.f32 v1, v11  }
0x86: {  	v3 =	vld [tilespmem:s0+$0x4150];
	[tilespmem:s30+$0x160] =	vst v2  }
0x87: {  	v2 =	vld [tilespmem:s0+$0x4160];
	[tilespmem:s30+$0x170] =	vst v1;
	s30 =	smov.u32 s0  }
0x88: {  	v1 =	vld [tilespmem:s30+$0x4170]  }
0x89: {  	v7 =	vld [tilespmem:s30+$0x100]  }
0x8a: {  	v8 =	vld [tilespmem:s30+$0x110]  }
.Ltmp6:
0x8b: {  	v11 =	vld [tilespmem:s30+$0x120];
	(pc) =	sbr.rel @p1 .LBB2_6-.Ltmp6, $4  }
0x8c: {  	v10 =	vld [tilespmem:s30+$0x130]  }
0x8d: {  	v9 =	vld [tilespmem:s30+$0x140]  }
0x8e: {  	v13 =	vmul.f32 v13, v7;
	v7 =	vld [tilespmem:s30+$0x150]  }
0x8f: {  	s31 =	sadd.s32 $0x200, s31;
	v12 =	vmul.f32 v12, v8;
	v8 =	vld [tilespmem:s30+$0x160]  }
0x90: {  	[tilespmem:s30+$0x100] =	vst v13;
	v6 =	vmul.f32 v6, v11;
	v63 =	vld [tilespmem:s30+$0x170]  }
0x91: {  	[tilespmem:s30+$0x110] =	vst v12;
	v5 =	vmul.f32 v5, v10  }
0x92: {  	[tilespmem:s30+$0x120] =	vst v6;
	v4 =	vmul.f32 v4, v9  }
0x93: {  	[tilespmem:s30+$0x130] =	vst v5;
	v3 =	vmul.f32 v3, v7  }
0x94: {  	[tilespmem:s30+$0x140] =	vst v4;
	v2 =	vmul.f32 v2, v8  }
0x95: {  	[tilespmem:s30+$0x150] =	vst v3;
	v1 =	vmul.f32 v1, v63  }
0x96: {  	[tilespmem:s30+$0x160] =	vst v2  }
.Ltmp7:
0x97: {  	[tilespmem:s30+$0x170] =	vst v1;
	(pc) =	sbr.rel .LBB2_8-.Ltmp7, $4  }
0x98: {  	[spmem:s2] =	stream.indirect.scatter.add.f32 [tilespmem:s25], [sflag:$0x2], $0x80, s23, s23, $0xb8;
	[tilespmem:$0x1B980] =	vst v63  }
0x99: {  	_ =	swait.ge [sflag:s28], $0x4000  }
0x9a: {  	[sflag:s28] =	ssyncset.done $0x0  }
0x9b: {  	[sflag:s28] =	ssyncadd.s32 $0xFFFFC000  }
.LBB2_10:
0x9c: {  	_ =	sfence.sel $0x180000  }
0x9d: {  	[bflag:$0x0] =	sbarrier.arrive $0xFFFF  }
0x9e: {  	_ =	strace $0x90000047  }
0x9f: {  	s0 =	stileid.u32;
	[bflag:$0x2] =	sbarrier.arrive $0xFFFF  }
0xa0: {  	p0 =	sne.s32 s0, $0x0;
	s0 =	rddreg [dreg:$0x3]  }
0xa1: {  	s0 =	sadd.s32 @!p0 $0x100000, s0  }
0xa2: {  	[sflag:s0] =	ssyncadd.tile.s32 @!p0 $0x1;
	_ =	shalt  }
.Lfunc_end2:
_tile_overlayer_lowered:
.L_overlay_start_2:
0xa3: {  	(tag) =	ssettag $0x2  }
0xa4: {  	s0 =	rddreg [dreg:$0x0];
	s2 =	stileid.u32  }
0xa5: {  	s1 =	rddreg [dreg:$0x1];
	p0 =	sne.s32 s2, $0x0  }
0xa6: {  	s3 =	rddreg [dreg:$0x2];
	[bflag:$0x3] =	sbarrier.arrive $0xFFFF;
	s2 =	simm.s32 @!p0 $0x1C02  }
0xa7: {  	[timem:s3], [sflag:s2] =	dma.local @!p0 [hbm:s0], s1  }
0xa8: {  	s0 =	simm.s32 @!p0 $0x2  }
0xa9: {  	_ =	swait.ge @!p0 [sflag:s0], s1  }
0xaa: {  	s1 =	ssub.s32 @!p0 $0x0, s1;
	[sflag:s0] =	ssyncset.done @!p0 $0x0  }
0xab: {  	[sflag:s0] =	ssyncadd.s32 @!p0 s1  }
0xac: {  	[bflag:$0x3] =	sbarrier.arrive $0xFFFF  }
0xad: {  	_ =	shalt  }

</sc_bundles>
